<compile_context>
chip_gen: v7x
topology: tpu7x:2x2x1
jax: 0.10.2.dev20260603
libtpu: 0.0.44.dev20260713+nightly
codegen_flags: <defaults>
</compile_context>

<pallas_src>
import functools

import jax
import jax.numpy as jnp
from jax import lax
from jax.experimental import pallas as pl
from jax.experimental.pallas import tpu as pltpu
from jax.experimental.pallas import tpu_sc as plsc

N = 10000
E = 320000
NFEAT = 128
NHID = 128
NCLASS = 64

NC = 2
NS = 16
NW = NC * NS
CHUNK = 128
N_PAD = 10240
ROWS_PER_TILE = N_PAD // NS

WE = ((E + NW * CHUNK - 1) // (NW * CHUNK)) * CHUNK
E_PAD = WE * NW
N_CHUNKS = WE // CHUNK


def _make_segsum(D: int):
    mesh = plsc.VectorSubcoreMesh(core_axis_name="c", subcore_axis_name="s")

    @functools.partial(
        pl.kernel,
        out_type=jax.ShapeDtypeStruct((NC, N_PAD, D), jnp.float32),
        mesh=mesh,
        scratch_types=[
            pltpu.VMEM((CHUNK,), jnp.int32),
            pltpu.VMEM((CHUNK,), jnp.int32),
            pltpu.VMEM((CHUNK, D), jnp.float32),
            pltpu.VMEM_SHARED((N_PAD, D), jnp.float32),
            pltpu.SemaphoreType.DMA,
        ],
    )
    def segsum(h_hbm, src_hbm, dst_hbm, zeros_hbm, out_hbm,
               src_v, dst_v, rows_v, acc_sh, sem):
        cid = lax.axis_index("c")
        sid = lax.axis_index("s")
        wid = sid * NC + cid

        r0 = sid * ROWS_PER_TILE
        pltpu.sync_copy(zeros_hbm.at[pl.ds(r0, ROWS_PER_TILE)],
                        acc_sh.at[pl.ds(r0, ROWS_PER_TILE)])
        plsc.subcore_barrier()

        base = wid * WE

        def body(j, carry):
            off = pl.multiple_of(base + j * CHUNK, CHUNK)
            pltpu.sync_copy(src_hbm.at[pl.ds(off, CHUNK)], src_v)
            pltpu.sync_copy(dst_hbm.at[pl.ds(off, CHUNK)], dst_v)
            pltpu.async_copy(h_hbm.at[src_v], rows_v, sem).wait()
            pltpu.sync_copy(rows_v, acc_sh.at[dst_v], add=True)
            return carry

        lax.fori_loop(0, N_CHUNKS, body, 0)
        plsc.subcore_barrier()
        pltpu.sync_copy(acc_sh.at[pl.ds(r0, ROWS_PER_TILE)],
                        out_hbm.at[cid, pl.ds(r0, ROWS_PER_TILE)])

    return segsum


_segsum128 = _make_segsum(128)



def _mm1_body(x_ref, w_ref, o_ref):
    o_ref[...] = jnp.dot(x_ref[...], w_ref[...],
                         preferred_element_type=jnp.float32)


def _mm1(x, W1):
    blk = 1000
    return pl.pallas_call(
        _mm1_body,
        grid=(N // blk,),
        in_specs=[
            pl.BlockSpec((blk, NFEAT), lambda i: (i, 0)),
            pl.BlockSpec((NFEAT, NHID), lambda i: (0, 0)),
        ],
        out_specs=pl.BlockSpec((blk, NHID), lambda i: (i, 0)),
        out_shape=jax.ShapeDtypeStruct((N, NHID), jnp.float32),
    )(x, W1)


def _layer2_body(acc_ref, b1_ref, w2_ref, o_ref):
    a = acc_ref[0] + acc_ref[1] + b1_ref[...]
    h1 = jnp.maximum(a, 0.0)
    o_ref[...] = jnp.dot(h1, w2_ref[...], preferred_element_type=jnp.float32)


def _layer2(acc1, b1, W2p):
    blk = 1024
    return pl.pallas_call(
        _layer2_body,
        grid=(N_PAD // blk,),
        in_specs=[
            pl.BlockSpec((NC, blk, NHID), lambda i: (0, i, 0)),
            pl.BlockSpec((1, NHID), lambda i: (0, 0)),
            pl.BlockSpec((NHID, 128), lambda i: (0, 0)),
        ],
        out_specs=pl.BlockSpec((blk, 128), lambda i: (i, 0)),
        out_shape=jax.ShapeDtypeStruct((N_PAD, 128), jnp.float32),
    )(acc1, b1.reshape(1, NHID), W2p)


def _final_body(acc_ref, b2_ref, o_ref):
    a = acc_ref[0, :, :NCLASS] + acc_ref[1, :, :NCLASS] + b2_ref[...]
    m = jnp.max(a, axis=1, keepdims=True)
    e = jnp.exp(a - m)
    s = jnp.sum(e, axis=1, keepdims=True)
    o_ref[...] = (a - m) - jnp.log(s)


def _final(acc2, b2):
    blk = 1024
    return pl.pallas_call(
        _final_body,
        grid=(N_PAD // blk,),
        in_specs=[
            pl.BlockSpec((NC, blk, 128), lambda i: (0, i, 0)),
            pl.BlockSpec((1, NCLASS), lambda i: (0, 0)),
        ],
        out_specs=pl.BlockSpec((blk, NCLASS), lambda i: (i, 0)),
        out_shape=jax.ShapeDtypeStruct((N_PAD, NCLASS), jnp.float32),
    )(acc2, b2.reshape(1, NCLASS))


@jax.jit
def kernel(x, adj, W1, b1, W2, b2):
    src = adj[0]
    dst = adj[1]
    pad = E_PAD - E
    src_p = jnp.concatenate([src, jnp.zeros((pad,), jnp.int32)])
    dst_p = jnp.concatenate([dst, jnp.full((pad,), N_PAD - 1, jnp.int32)])
    z128 = jnp.zeros((N_PAD, 128), jnp.float32)
    W2p = jnp.pad(W2, ((0, 0), (0, 128 - NCLASS)))

    h = _mm1(x, W1)
    acc1 = _segsum128(h, src_p, dst_p, z128)
    h2 = _layer2(acc1, b1, W2p)
    acc2 = _segsum128(h2, src_p, dst_p, z128)
    out = _final(acc2, b2)
    return out[:N]

# --- scband reference (transcript-rebuilt; emitter-appended) ---
"""Pipeline reference for scband-projection-gcn-81243601371937 (READ-ONLY COPY).

The authoritative reference and input builder live on the scoring server;
editing this copy changes nothing except your own understanding.
"""

import jax, jax.numpy as jnp
import numpy as np

N = 10000
E = 320000
NFEAT = 128
NHID = 128
NCLASS = 64


def setup_inputs(seed: int = 0) -> dict:
    key = jax.random.key(seed)
    k1, k2, k3, k4 = jax.random.split(key, 4)
    x = jax.random.normal(k1, (N, NFEAT), dtype=jnp.float32)
    adj = jax.random.randint(k2, (2, E), 0, N, dtype=jnp.int32)
    W1 = jax.random.normal(k3, (NFEAT, NHID), dtype=jnp.float32) * (1.0 / np.sqrt(NFEAT))
    b1 = jnp.zeros((NHID,), dtype=jnp.float32)
    W2 = jax.random.normal(k4, (NHID, NCLASS), dtype=jnp.float32) * (1.0 / np.sqrt(NHID))
    b2 = jnp.zeros((NCLASS,), dtype=jnp.float32)
    return {"x": x, "adj": adj, "W1": W1, "b1": b1, "W2": W2, "b2": b2}


def reference(x, adj, W1, b1, W2, b2):
    # adj given as edge list [2, E]: row 0 = src, row 1 = dst.
    # Each ProjectionGraphConvolution layer ~ GCN layer: out = A @ (x @ W) + b,
    # realized as gather over src + scatter-add (segment_sum) over dst.
    src = adj[0]
    dst = adj[1]
    # layer 1
    h = x @ W1
    agg1 = jax.ops.segment_sum(jnp.take(h, src, axis=0), dst, num_segments=N)
    h1 = jax.nn.relu(agg1 + b1)
    # dropout is identity in eval mode (training=False)
    # layer 2
    h2 = h1 @ W2
    agg2 = jax.ops.segment_sum(jnp.take(h2, src, axis=0), dst, num_segments=N)
    out = agg2 + b2
    return jax.nn.log_softmax(out, axis=1)

if __name__ == "__main__":
    import jax
    _d = setup_inputs()
    print(jax.jit(kernel)(*tuple(_d.values())))

</pallas_src>

<mosaic_0001>
#map = affine_map<(d0, d1) -> (0, 0)>
#map1 = affine_map<(d0, d1) -> (0)>
#map2 = affine_map<(d0, d1) -> (0, 0, 0)>
module attributes {stable_mosaic.version = 14 : i64} {
  func.func @segsum(%arg0: i32, %arg1: i32, %arg2: memref<10240x128xf32, #tpu.memory_space<hbm>>, %arg3: memref<323584xi32, #tpu.memory_space<hbm>>, %arg4: memref<323584xi32, #tpu.memory_space<hbm>>, %arg5: memref<10240x128xf32, #tpu.memory_space<hbm>>, %arg6: memref<2x10240x128xf32, #tpu.memory_space<hbm>>, %arg7: memref<128xi32, #tpu.memory_space<vmem>>, %arg8: memref<128xi32, #tpu.memory_space<vmem>>, %arg9: memref<128x128xf32, #tpu.memory_space<vmem>>, %arg10: memref<10240x128xf32, #tpu.memory_space<vmem_shared>>, %arg11: memref<!tpu.dma_semaphore, #tpu.memory_space<semaphore_mem>>) attributes {dimension_semantics = [#tpu.dimension_semantics<core_parallel>, #tpu.dimension_semantics<subcore_parallel>], iteration_bounds = array<i64: 2, 16>, scalar_prefetch = 0 : i64, scratch_operands = 5 : i64, tpu.core_type = #tpu.core_type<sc_vector_subcore>, window_params = [{transform_indices = #map}, {transform_indices = #map1}, {transform_indices = #map1}, {transform_indices = #map}, {transform_indices = #map2}]} {
    %mul3A = arith.constant 2 : i32
    %mul3A_0 = arith.muli %arg1, %mul3A : i32
    %add3A = arith.addi %mul3A_0, %arg0 : i32
    %mul3A_1 = arith.constant 640 : i32
    %mul3A_2 = arith.muli %arg1, %mul3A_1 : i32
    "tpu.region"() ({
      %run_scoped3A = tpu.sem_alloc : memref<!tpu.dma_semaphore, #tpu.memory_space<semaphore_mem>>
      %dma_start3A = arith.constant 0 : i32
      %dma_start3A_11 = tpu.memref_slice %arg10[%mul3A_2, %dma_start3A] : memref<10240x128xf32, #tpu.memory_space<vmem_shared>> -> memref<640x128xf32, #tpu.memory_space<vmem_shared>>
      %dma_start3A_12 = arith.constant 0 : i32
      %dma_start3A_13 = tpu.memref_slice %arg5[%mul3A_2, %dma_start3A_12] : memref<10240x128xf32, #tpu.memory_space<hbm>> -> memref<640x128xf32, #tpu.memory_space<hbm>>
      tpu.enqueue_dma source(%dma_start3A_13 : memref<640x128xf32, #tpu.memory_space<hbm>>) target(%dma_start3A_11 : memref<640x128xf32, #tpu.memory_space<vmem_shared>>) target_semaphore(%run_scoped3A : memref<!tpu.dma_semaphore, #tpu.memory_space<semaphore_mem>>)
      %dma_wait3A = arith.constant 0 : i32
      %dma_wait3A_14 = tpu.memref_slice %arg10[%mul3A_2, %dma_wait3A] : memref<10240x128xf32, #tpu.memory_space<vmem_shared>> -> memref<640x128xf32, #tpu.memory_space<vmem_shared>>
      %dma_wait3A_15 = arith.constant 0 : i32
      %dma_wait3A_16 = tpu.memref_slice %arg5[%mul3A_2, %dma_wait3A_15] : memref<10240x128xf32, #tpu.memory_space<hbm>> -> memref<640x128xf32, #tpu.memory_space<hbm>>
      tpu.wait_dma2 semaphore(%run_scoped3A : memref<!tpu.dma_semaphore, #tpu.memory_space<semaphore_mem>>) src(%dma_wait3A_16 : memref<640x128xf32, #tpu.memory_space<hbm>>) dst(%dma_wait3A_14 : memref<640x128xf32, #tpu.memory_space<vmem_shared>>)
      tpu.yield
    }) : () -> ()
    %barrier3A = arith.constant 0 : index
    tpu.barrier barrier_id(%barrier3A)
    %mul3A_3 = arith.constant 10112 : i32
    %mul3A_4 = arith.muli %add3A, %mul3A_3 : i32
    %scan3A = arith.constant 0 : i32
    %scan3A_5 = arith.constant 0 : i32
    %scan3A_6 = arith.constant 79 : i32
    %scan3A_7 = arith.addi %scan3A_5, %scan3A_6 : i32
    %scan3A_8 = arith.constant 1 : i32
    scf.for %scan3A_11 = %scan3A_5 to %scan3A_7 step %scan3A_8  : i32 {
      %mul3A_12 = arith.constant 128 : i32
      %mul3A_13 = arith.muli %scan3A_11, %mul3A_12 : i32
      %add3A_14 = arith.addi %mul3A_4, %mul3A_13 : i32
      %multiple_of3A = tpu.assume_multiple %add3A_14, 128 : i32
      "tpu.region"() ({
        %run_scoped3A = tpu.sem_alloc : memref<!tpu.dma_semaphore, #tpu.memory_space<semaphore_mem>>
        %dma_start3A_19 = tpu.memref_slice %arg3[%multiple_of3A] : memref<323584xi32, #tpu.memory_space<hbm>> -> memref<128xi32, #tpu.memory_space<hbm>>
        %dma_start3A_20 = tpu.memref_slice %arg3[%multiple_of3A] : memref<323584xi32, #tpu.memory_space<hbm>> -> memref<128xi32, #tpu.memory_space<hbm>>
        tpu.enqueue_dma source(%dma_start3A_20 : memref<128xi32, #tpu.memory_space<hbm>>) target(%arg7 : memref<128xi32, #tpu.memory_space<vmem>>) target_semaphore(%run_scoped3A : memref<!tpu.dma_semaphore, #tpu.memory_space<semaphore_mem>>)
        %dma_wait3A_21 = tpu.memref_slice %arg3[%multiple_of3A] : memref<323584xi32, #tpu.memory_space<hbm>> -> memref<128xi32, #tpu.memory_space<hbm>>
        %dma_wait3A_22 = tpu.memref_slice %arg3[%multiple_of3A] : memref<323584xi32, #tpu.memory_space<hbm>> -> memref<128xi32, #tpu.memory_space<hbm>>
        tpu.wait_dma2 semaphore(%run_scoped3A : memref<!tpu.dma_semaphore, #tpu.memory_space<semaphore_mem>>) src(%dma_wait3A_22 : memref<128xi32, #tpu.memory_space<hbm>>) dst(%arg7 : memref<128xi32, #tpu.memory_space<vmem>>)
        tpu.yield
      }) : () -> ()
      "tpu.region"() ({
        %run_scoped3A = tpu.sem_alloc : memref<!tpu.dma_semaphore, #tpu.memory_space<semaphore_mem>>
        %dma_start3A_19 = tpu.memref_slice %arg4[%multiple_of3A] : memref<323584xi32, #tpu.memory_space<hbm>> -> memref<128xi32, #tpu.memory_space<hbm>>
        %dma_start3A_20 = tpu.memref_slice %arg4[%multiple_of3A] : memref<323584xi32, #tpu.memory_space<hbm>> -> memref<128xi32, #tpu.memory_space<hbm>>
        tpu.enqueue_dma source(%dma_start3A_20 : memref<128xi32, #tpu.memory_space<hbm>>) target(%arg8 : memref<128xi32, #tpu.memory_space<vmem>>) target_semaphore(%run_scoped3A : memref<!tpu.dma_semaphore, #tpu.memory_space<semaphore_mem>>)
        %dma_wait3A_21 = tpu.memref_slice %arg4[%multiple_of3A] : memref<323584xi32, #tpu.memory_space<hbm>> -> memref<128xi32, #tpu.memory_space<hbm>>
        %dma_wait3A_22 = tpu.memref_slice %arg4[%multiple_of3A] : memref<323584xi32, #tpu.memory_space<hbm>> -> memref<128xi32, #tpu.memory_space<hbm>>
        tpu.wait_dma2 semaphore(%run_scoped3A : memref<!tpu.dma_semaphore, #tpu.memory_space<semaphore_mem>>) src(%dma_wait3A_22 : memref<128xi32, #tpu.memory_space<hbm>>) dst(%arg8 : memref<128xi32, #tpu.memory_space<vmem>>)
        tpu.yield
      }) : () -> ()
      %dma_start3A = arith.constant 0 : i32
      %dma_start3A_15 = arith.constant 0 : i32
      %dma_start3A_16 = tpu.memref_slice %arg2[%dma_start3A, %dma_start3A_15] : memref<10240x128xf32, #tpu.memory_space<hbm>> -> memref<10240x128xf32, #tpu.memory_space<hbm>>
      tpu.enqueue_indirect_dma source(%dma_start3A_16 : memref<10240x128xf32, #tpu.memory_space<hbm>>) target(%arg9 : memref<128x128xf32, #tpu.memory_space<vmem>>) offsets(%arg7 : memref<128xi32, #tpu.memory_space<vmem>>) semaphore(%arg11 : memref<!tpu.dma_semaphore, #tpu.memory_space<semaphore_mem>>)
      %dma_wait3A = arith.constant 0 : i32
      %dma_wait3A_17 = arith.constant 0 : i32
      %dma_wait3A_18 = tpu.memref_slice %arg2[%dma_wait3A, %dma_wait3A_17] : memref<10240x128xf32, #tpu.memory_space<hbm>> -> memref<10240x128xf32, #tpu.memory_space<hbm>>
      tpu.wait_indirect_dma semaphore(%arg11 : memref<!tpu.dma_semaphore, #tpu.memory_space<semaphore_mem>>) src(%dma_wait3A_18 : memref<10240x128xf32, #tpu.memory_space<hbm>>) dst(%arg9 : memref<128x128xf32, #tpu.memory_space<vmem>>)
      "tpu.region"() ({
        %run_scoped3A = tpu.sem_alloc : memref<!tpu.dma_semaphore, #tpu.memory_space<semaphore_mem>>
        %dma_start3A_19 = arith.constant 0 : i32
        %dma_start3A_20 = arith.constant 0 : i32
        %dma_start3A_21 = tpu.memref_slice %arg10[%dma_start3A_19, %dma_start3A_20] : memref<10240x128xf32, #tpu.memory_space<vmem_shared>> -> memref<10240x128xf32, #tpu.memory_space<vmem_shared>>
        tpu.enqueue_indirect_dma source(%arg9 : memref<128x128xf32, #tpu.memory_space<vmem>>) target(%dma_start3A_21 : memref<10240x128xf32, #tpu.memory_space<vmem_shared>>) offsets(%arg8 : memref<128xi32, #tpu.memory_space<vmem>>) semaphore(%run_scoped3A : memref<!tpu.dma_semaphore, #tpu.memory_space<semaphore_mem>>) {add = true}
        %dma_wait3A_22 = arith.constant 0 : i32
        %dma_wait3A_23 = arith.constant 0 : i32
        %dma_wait3A_24 = tpu.memref_slice %arg10[%dma_wait3A_22, %dma_wait3A_23] : memref<10240x128xf32, #tpu.memory_space<vmem_shared>> -> memref<10240x128xf32, #tpu.memory_space<vmem_shared>>
        tpu.wait_indirect_dma semaphore(%run_scoped3A : memref<!tpu.dma_semaphore, #tpu.memory_space<semaphore_mem>>) src(%arg9 : memref<128x128xf32, #tpu.memory_space<vmem>>) dst(%dma_wait3A_24 : memref<10240x128xf32, #tpu.memory_space<vmem_shared>>)
        tpu.yield
      }) : () -> ()
    }
    %scan3A_9 = arith.constant 79 : i32
    %barrier3A_10 = arith.constant 0 : index
    tpu.barrier barrier_id(%barrier3A_10)
    "tpu.region"() ({
      %run_scoped3A = tpu.sem_alloc : memref<!tpu.dma_semaphore, #tpu.memory_space<semaphore_mem>>
      %dma_start3A = arith.constant 0 : i32
      %dma_start3A_11 = tpu.memref_slice %arg6[%arg0, %mul3A_2, %dma_start3A] : memref<2x10240x128xf32, #tpu.memory_space<hbm>> -> memref<1x640x128xf32, #tpu.memory_space<hbm>>
      %dma_start3A_12 = tpu.memref_squeeze %dma_start3A_11 : memref<1x640x128xf32, #tpu.memory_space<hbm>> -> memref<640x128xf32, #tpu.memory_space<hbm>>
      %dma_start3A_13 = arith.constant 0 : i32
      %dma_start3A_14 = tpu.memref_slice %arg10[%mul3A_2, %dma_start3A_13] : memref<10240x128xf32, #tpu.memory_space<vmem_shared>> -> memref<640x128xf32, #tpu.memory_space<vmem_shared>>
      tpu.enqueue_dma source(%dma_start3A_14 : memref<640x128xf32, #tpu.memory_space<vmem_shared>>) target(%dma_start3A_12 : memref<640x128xf32, #tpu.memory_space<hbm>>) target_semaphore(%run_scoped3A : memref<!tpu.dma_semaphore, #tpu.memory_space<semaphore_mem>>)
      %dma_wait3A = arith.constant 0 : i32
      %dma_wait3A_15 = tpu.memref_slice %arg6[%arg0, %mul3A_2, %dma_wait3A] : memref<2x10240x128xf32, #tpu.memory_space<hbm>> -> memref<1x640x128xf32, #tpu.memory_space<hbm>>
      %dma_wait3A_16 = tpu.memref_squeeze %dma_wait3A_15 : memref<1x640x128xf32, #tpu.memory_space<hbm>> -> memref<640x128xf32, #tpu.memory_space<hbm>>
      %dma_wait3A_17 = arith.constant 0 : i32
      %dma_wait3A_18 = tpu.memref_slice %arg10[%mul3A_2, %dma_wait3A_17] : memref<10240x128xf32, #tpu.memory_space<vmem_shared>> -> memref<640x128xf32, #tpu.memory_space<vmem_shared>>
      tpu.wait_dma2 semaphore(%run_scoped3A : memref<!tpu.dma_semaphore, #tpu.memory_space<semaphore_mem>>) src(%dma_wait3A_18 : memref<640x128xf32, #tpu.memory_space<vmem_shared>>) dst(%dma_wait3A_16 : memref<640x128xf32, #tpu.memory_space<hbm>>)
      tpu.yield
    }) : () -> ()
    return
  }
}

#map = affine_map<(d0, d1) -> (0, 0)>
#map1 = affine_map<(d0, d1) -> (0)>
#map2 = affine_map<(d0, d1) -> (0, 0, 0)>
module attributes {stable_mosaic.version = 14 : i64} {
  func.func @segsum(%arg0: i32, %arg1: i32, %arg2: memref<10000x128xf32, #tpu.memory_space<hbm>>, %arg3: memref<323584xi32, #tpu.memory_space<hbm>>, %arg4: memref<323584xi32, #tpu.memory_space<hbm>>, %arg5: memref<10240x128xf32, #tpu.memory_space<hbm>>, %arg6: memref<2x10240x128xf32, #tpu.memory_space<hbm>>, %arg7: memref<128xi32, #tpu.memory_space<vmem>>, %arg8: memref<128xi32, #tpu.memory_space<vmem>>, %arg9: memref<128x128xf32, #tpu.memory_space<vmem>>, %arg10: memref<10240x128xf32, #tpu.memory_space<vmem_shared>>, %arg11: memref<!tpu.dma_semaphore, #tpu.memory_space<semaphore_mem>>) attributes {dimension_semantics = [#tpu.dimension_semantics<core_parallel>, #tpu.dimension_semantics<subcore_parallel>], iteration_bounds = array<i64: 2, 16>, scalar_prefetch = 0 : i64, scratch_operands = 5 : i64, tpu.core_type = #tpu.core_type<sc_vector_subcore>, window_params = [{transform_indices = #map}, {transform_indices = #map1}, {transform_indices = #map1}, {transform_indices = #map}, {transform_indices = #map2}]} {
    %mul3A = arith.constant 2 : i32
    %mul3A_0 = arith.muli %arg1, %mul3A : i32
    %add3A = arith.addi %mul3A_0, %arg0 : i32
    %mul3A_1 = arith.constant 640 : i32
    %mul3A_2 = arith.muli %arg1, %mul3A_1 : i32
    "tpu.region"() ({
      %run_scoped3A = tpu.sem_alloc : memref<!tpu.dma_semaphore, #tpu.memory_space<semaphore_mem>>
      %dma_start3A = arith.constant 0 : i32
      %dma_start3A_11 = tpu.memref_slice %arg10[%mul3A_2, %dma_start3A] : memref<10240x128xf32, #tpu.memory_space<vmem_shared>> -> memref<640x128xf32, #tpu.memory_space<vmem_shared>>
      %dma_start3A_12 = arith.constant 0 : i32
      %dma_start3A_13 = tpu.memref_slice %arg5[%mul3A_2, %dma_start3A_12] : memref<10240x128xf32, #tpu.memory_space<hbm>> -> memref<640x128xf32, #tpu.memory_space<hbm>>
      tpu.enqueue_dma source(%dma_start3A_13 : memref<640x128xf32, #tpu.memory_space<hbm>>) target(%dma_start3A_11 : memref<640x128xf32, #tpu.memory_space<vmem_shared>>) target_semaphore(%run_scoped3A : memref<!tpu.dma_semaphore, #tpu.memory_space<semaphore_mem>>)
      %dma_wait3A = arith.constant 0 : i32
      %dma_wait3A_14 = tpu.memref_slice %arg10[%mul3A_2, %dma_wait3A] : memref<10240x128xf32, #tpu.memory_space<vmem_shared>> -> memref<640x128xf32, #tpu.memory_space<vmem_shared>>
      %dma_wait3A_15 = arith.constant 0 : i32
      %dma_wait3A_16 = tpu.memref_slice %arg5[%mul3A_2, %dma_wait3A_15] : memref<10240x128xf32, #tpu.memory_space<hbm>> -> memref<640x128xf32, #tpu.memory_space<hbm>>
      tpu.wait_dma2 semaphore(%run_scoped3A : memref<!tpu.dma_semaphore, #tpu.memory_space<semaphore_mem>>) src(%dma_wait3A_16 : memref<640x128xf32, #tpu.memory_space<hbm>>) dst(%dma_wait3A_14 : memref<640x128xf32, #tpu.memory_space<vmem_shared>>)
      tpu.yield
    }) : () -> ()
    %barrier3A = arith.constant 0 : index
    tpu.barrier barrier_id(%barrier3A)
    %mul3A_3 = arith.constant 10112 : i32
    %mul3A_4 = arith.muli %add3A, %mul3A_3 : i32
    %scan3A = arith.constant 0 : i32
    %scan3A_5 = arith.constant 0 : i32
    %scan3A_6 = arith.constant 79 : i32
    %scan3A_7 = arith.addi %scan3A_5, %scan3A_6 : i32
    %scan3A_8 = arith.constant 1 : i32
    scf.for %scan3A_11 = %scan3A_5 to %scan3A_7 step %scan3A_8  : i32 {
      %mul3A_12 = arith.constant 128 : i32
      %mul3A_13 = arith.muli %scan3A_11, %mul3A_12 : i32
      %add3A_14 = arith.addi %mul3A_4, %mul3A_13 : i32
      %multiple_of3A = tpu.assume_multiple %add3A_14, 128 : i32
      "tpu.region"() ({
        %run_scoped3A = tpu.sem_alloc : memref<!tpu.dma_semaphore, #tpu.memory_space<semaphore_mem>>
        %dma_start3A_19 = tpu.memref_slice %arg3[%multiple_of3A] : memref<323584xi32, #tpu.memory_space<hbm>> -> memref<128xi32, #tpu.memory_space<hbm>>
        %dma_start3A_20 = tpu.memref_slice %arg3[%multiple_of3A] : memref<323584xi32, #tpu.memory_space<hbm>> -> memref<128xi32, #tpu.memory_space<hbm>>
        tpu.enqueue_dma source(%dma_start3A_20 : memref<128xi32, #tpu.memory_space<hbm>>) target(%arg7 : memref<128xi32, #tpu.memory_space<vmem>>) target_semaphore(%run_scoped3A : memref<!tpu.dma_semaphore, #tpu.memory_space<semaphore_mem>>)
        %dma_wait3A_21 = tpu.memref_slice %arg3[%multiple_of3A] : memref<323584xi32, #tpu.memory_space<hbm>> -> memref<128xi32, #tpu.memory_space<hbm>>
        %dma_wait3A_22 = tpu.memref_slice %arg3[%multiple_of3A] : memref<323584xi32, #tpu.memory_space<hbm>> -> memref<128xi32, #tpu.memory_space<hbm>>
        tpu.wait_dma2 semaphore(%run_scoped3A : memref<!tpu.dma_semaphore, #tpu.memory_space<semaphore_mem>>) src(%dma_wait3A_22 : memref<128xi32, #tpu.memory_space<hbm>>) dst(%arg7 : memref<128xi32, #tpu.memory_space<vmem>>)
        tpu.yield
      }) : () -> ()
      "tpu.region"() ({
        %run_scoped3A = tpu.sem_alloc : memref<!tpu.dma_semaphore, #tpu.memory_space<semaphore_mem>>
        %dma_start3A_19 = tpu.memref_slice %arg4[%multiple_of3A] : memref<323584xi32, #tpu.memory_space<hbm>> -> memref<128xi32, #tpu.memory_space<hbm>>
        %dma_start3A_20 = tpu.memref_slice %arg4[%multiple_of3A] : memref<323584xi32, #tpu.memory_space<hbm>> -> memref<128xi32, #tpu.memory_space<hbm>>
        tpu.enqueue_dma source(%dma_start3A_20 : memref<128xi32, #tpu.memory_space<hbm>>) target(%arg8 : memref<128xi32, #tpu.memory_space<vmem>>) target_semaphore(%run_scoped3A : memref<!tpu.dma_semaphore, #tpu.memory_space<semaphore_mem>>)
        %dma_wait3A_21 = tpu.memref_slice %arg4[%multiple_of3A] : memref<323584xi32, #tpu.memory_space<hbm>> -> memref<128xi32, #tpu.memory_space<hbm>>
        %dma_wait3A_22 = tpu.memref_slice %arg4[%multiple_of3A] : memref<323584xi32, #tpu.memory_space<hbm>> -> memref<128xi32, #tpu.memory_space<hbm>>
        tpu.wait_dma2 semaphore(%run_scoped3A : memref<!tpu.dma_semaphore, #tpu.memory_space<semaphore_mem>>) src(%dma_wait3A_22 : memref<128xi32, #tpu.memory_space<hbm>>) dst(%arg8 : memref<128xi32, #tpu.memory_space<vmem>>)
        tpu.yield
      }) : () -> ()
      %dma_start3A = arith.constant 0 : i32
      %dma_start3A_15 = arith.constant 0 : i32
      %dma_start3A_16 = tpu.memref_slice %arg2[%dma_start3A, %dma_start3A_15] : memref<10000x128xf32, #tpu.memory_space<hbm>> -> memref<10000x128xf32, #tpu.memory_space<hbm>>
      tpu.enqueue_indirect_dma source(%dma_start3A_16 : memref<10000x128xf32, #tpu.memory_space<hbm>>) target(%arg9 : memref<128x128xf32, #tpu.memory_space<vmem>>) offsets(%arg7 : memref<128xi32, #tpu.memory_space<vmem>>) semaphore(%arg11 : memref<!tpu.dma_semaphore, #tpu.memory_space<semaphore_mem>>)
      %dma_wait3A = arith.constant 0 : i32
      %dma_wait3A_17 = arith.constant 0 : i32
      %dma_wait3A_18 = tpu.memref_slice %arg2[%dma_wait3A, %dma_wait3A_17] : memref<10000x128xf32, #tpu.memory_space<hbm>> -> memref<10000x128xf32, #tpu.memory_space<hbm>>
      tpu.wait_indirect_dma semaphore(%arg11 : memref<!tpu.dma_semaphore, #tpu.memory_space<semaphore_mem>>) src(%dma_wait3A_18 : memref<10000x128xf32, #tpu.memory_space<hbm>>) dst(%arg9 : memref<128x128xf32, #tpu.memory_space<vmem>>)
      "tpu.region"() ({
        %run_scoped3A = tpu.sem_alloc : memref<!tpu.dma_semaphore, #tpu.memory_space<semaphore_mem>>
        %dma_start3A_19 = arith.constant 0 : i32
        %dma_start3A_20 = arith.constant 0 : i32
        %dma_start3A_21 = tpu.memref_slice %arg10[%dma_start3A_19, %dma_start3A_20] : memref<10240x128xf32, #tpu.memory_space<vmem_shared>> -> memref<10240x128xf32, #tpu.memory_space<vmem_shared>>
        tpu.enqueue_indirect_dma source(%arg9 : memref<128x128xf32, #tpu.memory_space<vmem>>) target(%dma_start3A_21 : memref<10240x128xf32, #tpu.memory_space<vmem_shared>>) offsets(%arg8 : memref<128xi32, #tpu.memory_space<vmem>>) semaphore(%run_scoped3A : memref<!tpu.dma_semaphore, #tpu.memory_space<semaphore_mem>>) {add = true}
        %dma_wait3A_22 = arith.constant 0 : i32
        %dma_wait3A_23 = arith.constant 0 : i32
        %dma_wait3A_24 = tpu.memref_slice %arg10[%dma_wait3A_22, %dma_wait3A_23] : memref<10240x128xf32, #tpu.memory_space<vmem_shared>> -> memref<10240x128xf32, #tpu.memory_space<vmem_shared>>
        tpu.wait_indirect_dma semaphore(%run_scoped3A : memref<!tpu.dma_semaphore, #tpu.memory_space<semaphore_mem>>) src(%arg9 : memref<128x128xf32, #tpu.memory_space<vmem>>) dst(%dma_wait3A_24 : memref<10240x128xf32, #tpu.memory_space<vmem_shared>>)
        tpu.yield
      }) : () -> ()
    }
    %scan3A_9 = arith.constant 79 : i32
    %barrier3A_10 = arith.constant 0 : index
    tpu.barrier barrier_id(%barrier3A_10)
    "tpu.region"() ({
      %run_scoped3A = tpu.sem_alloc : memref<!tpu.dma_semaphore, #tpu.memory_space<semaphore_mem>>
      %dma_start3A = arith.constant 0 : i32
      %dma_start3A_11 = tpu.memref_slice %arg6[%arg0, %mul3A_2, %dma_start3A] : memref<2x10240x128xf32, #tpu.memory_space<hbm>> -> memref<1x640x128xf32, #tpu.memory_space<hbm>>
      %dma_start3A_12 = tpu.memref_squeeze %dma_start3A_11 : memref<1x640x128xf32, #tpu.memory_space<hbm>> -> memref<640x128xf32, #tpu.memory_space<hbm>>
      %dma_start3A_13 = arith.constant 0 : i32
      %dma_start3A_14 = tpu.memref_slice %arg10[%mul3A_2, %dma_start3A_13] : memref<10240x128xf32, #tpu.memory_space<vmem_shared>> -> memref<640x128xf32, #tpu.memory_space<vmem_shared>>
      tpu.enqueue_dma source(%dma_start3A_14 : memref<640x128xf32, #tpu.memory_space<vmem_shared>>) target(%dma_start3A_12 : memref<640x128xf32, #tpu.memory_space<hbm>>) target_semaphore(%run_scoped3A : memref<!tpu.dma_semaphore, #tpu.memory_space<semaphore_mem>>)
      %dma_wait3A = arith.constant 0 : i32
      %dma_wait3A_15 = tpu.memref_slice %arg6[%arg0, %mul3A_2, %dma_wait3A] : memref<2x10240x128xf32, #tpu.memory_space<hbm>> -> memref<1x640x128xf32, #tpu.memory_space<hbm>>
      %dma_wait3A_16 = tpu.memref_squeeze %dma_wait3A_15 : memref<1x640x128xf32, #tpu.memory_space<hbm>> -> memref<640x128xf32, #tpu.memory_space<hbm>>
      %dma_wait3A_17 = arith.constant 0 : i32
      %dma_wait3A_18 = tpu.memref_slice %arg10[%mul3A_2, %dma_wait3A_17] : memref<10240x128xf32, #tpu.memory_space<vmem_shared>> -> memref<640x128xf32, #tpu.memory_space<vmem_shared>>
      tpu.wait_dma2 semaphore(%run_scoped3A : memref<!tpu.dma_semaphore, #tpu.memory_space<semaphore_mem>>) src(%dma_wait3A_18 : memref<640x128xf32, #tpu.memory_space<vmem_shared>>) dst(%dma_wait3A_16 : memref<640x128xf32, #tpu.memory_space<hbm>>)
      tpu.yield
    }) : () -> ()
    return
  }
}

module attributes {stable_mosaic.version = 14 : i64} {
  func.func @_mm1_body(%arg0: i32, %arg1: memref<1000x128xf32, #tpu.memory_space<vmem>>, %arg2: memref<128x128xf32, #tpu.memory_space<vmem>>, %arg3: memref<1000x128xf32, #tpu.memory_space<vmem>>) attributes {dimension_semantics = [#tpu.dimension_semantics<arbitrary>], iteration_bounds = array<i64: 10>, scalar_prefetch = 0 : i64, scratch_operands = 0 : i64, tpu.core_type = #tpu.core_type<tc>, window_params = [{transform_indices = @transform_0, window_bounds = array<i64: 1000, 128>}, {pipeline_mode = #tpu.pipeline_mode<synchronous>, transform_indices = @transform_1, window_bounds = array<i64: 128, 128>}, {transform_indices = @transform_2, window_bounds = array<i64: 1000, 128>}]} {
    %get3A = arith.constant 0 : index
    %get3A_0 = arith.constant 0 : index
    %get3A_1 = vector.load %arg1[%get3A, %get3A_0] : memref<1000x128xf32, #tpu.memory_space<vmem>>, vector<1000x128xf32>
    %get3A_2 = arith.constant 0 : index
    %get3A_3 = arith.constant 0 : index
    %get3A_4 = vector.load %arg2[%get3A_2, %get3A_3] : memref<128x128xf32, #tpu.memory_space<vmem>>, vector<128x128xf32>
    %dot_general3A = arith.constant dense<0.000000e+00> : vector<1000x128xf32>
    %dot_general3A_5 = tpu.matmul %get3A_1, %get3A_4, %dot_general3A {dimension_numbers = #tpu.dot_dimension_numbers<[1], [0], [0], [1], [0, 0, 1, 1], [], []>, transpose_lhs_hint = false} : vector<1000x128xf32>, vector<128x128xf32>, vector<1000x128xf32> -> vector<1000x128xf32>
    %swap3A = arith.constant 0 : index
    %swap3A_6 = arith.constant 0 : index
    %swap3A_7 = vector.load %arg3[%swap3A, %swap3A_6] : memref<1000x128xf32, #tpu.memory_space<vmem>>, vector<1000x128xf32>
    tpu.vector_store %arg3[%swap3A, %swap3A_6], %dot_general3A_5 {strides = array<i32>} : memref<1000x128xf32, #tpu.memory_space<vmem>>, vector<1000x128xf32>,
    return
  }
  func.func @transform_0(%arg0: i32) -> (i32, i32) {
    %c0_i32 = arith.constant 0 : i32
    %c0_i32_0 = arith.constant 0 : i32
    return %arg0, %c0_i32 : i32, i32
  }
  func.func @transform_1(%arg0: i32) -> (i32, i32) {
    %c0_i32 = arith.constant 0 : i32
    %c0_i32_0 = arith.constant 0 : i32
    %c0_i32_1 = arith.constant 0 : i32
    return %c0_i32, %c0_i32_0 : i32, i32
  }
  func.func @transform_2(%arg0: i32) -> (i32, i32) {
    %c0_i32 = arith.constant 0 : i32
    %c0_i32_0 = arith.constant 0 : i32
    return %arg0, %c0_i32 : i32, i32
  }
}

module attributes {stable_mosaic.version = 14 : i64} {
  func.func @_layer2_body(%arg0: i32, %arg1: memref<2x1024x128xf32, #tpu.memory_space<vmem>>, %arg2: memref<1x128xf32, #tpu.memory_space<vmem>>, %arg3: memref<128x128xf32, #tpu.memory_space<vmem>>, %arg4: memref<1024x128xf32, #tpu.memory_space<vmem>>) attributes {dimension_semantics = [#tpu.dimension_semantics<arbitrary>], iteration_bounds = array<i64: 10>, scalar_prefetch = 0 : i64, scratch_operands = 0 : i64, tpu.core_type = #tpu.core_type<tc>, window_params = [{transform_indices = @transform_0, window_bounds = array<i64: 2, 1024, 128>}, {pipeline_mode = #tpu.pipeline_mode<synchronous>, transform_indices = @transform_1, window_bounds = array<i64: 1, 128>}, {pipeline_mode = #tpu.pipeline_mode<synchronous>, transform_indices = @transform_2, window_bounds = array<i64: 128, 128>}, {transform_indices = @transform_3, window_bounds = array<i64: 1024, 128>}]} {
    %get3A = arith.constant 0 : index
    %get3A_0 = arith.constant 0 : index
    %get3A_1 = arith.constant 0 : index
    %get3A_2 = vector.load %arg1[%get3A, %get3A_0, %get3A_1] : memref<2x1024x128xf32, #tpu.memory_space<vmem>>, vector<1x1024x128xf32>
    %get3A_3 = vector.shape_cast %get3A_2 : vector<1x1024x128xf32> to vector<1024x128xf32>
    %get3A_4 = arith.constant 1 : index
    %get3A_5 = arith.constant 0 : index
    %get3A_6 = arith.constant 0 : index
    %get3A_7 = vector.load %arg1[%get3A_4, %get3A_5, %get3A_6] : memref<2x1024x128xf32, #tpu.memory_space<vmem>>, vector<1x1024x128xf32>
    %get3A_8 = vector.shape_cast %get3A_7 : vector<1x1024x128xf32> to vector<1024x128xf32>
    %add3A = arith.addf %get3A_3, %get3A_8 : vector<1024x128xf32>
    %get3A_9 = arith.constant 0 : index
    %get3A_10 = arith.constant 0 : index
    %get3A_11 = vector.load %arg2[%get3A_9, %get3A_10] : memref<1x128xf32, #tpu.memory_space<vmem>>, vector<1x128xf32>
    %add3A_12 = vector.broadcast %get3A_11 : vector<1x128xf32> to vector<1024x128xf32>
    %add3A_13 = arith.addf %add3A, %add3A_12 : vector<1024x128xf32>
    %max3A = arith.constant 0.000000e+00 : f32
    %max3A_14 = vector.broadcast %max3A : f32 to vector<1024x128xf32>
    %max3A_15 = arith.maximumf %add3A_13, %max3A_14 : vector<1024x128xf32>
    %get3A_16 = arith.constant 0 : index
    %get3A_17 = arith.constant 0 : index
    %get3A_18 = vector.load %arg3[%get3A_16, %get3A_17] : memref<128x128xf32, #tpu.memory_space<vmem>>, vector<128x128xf32>
    %dot_general3A = arith.constant dense<0.000000e+00> : vector<1024x128xf32>
    %dot_general3A_19 = tpu.matmul %max3A_15, %get3A_18, %dot_general3A {dimension_numbers = #tpu.dot_dimension_numbers<[1], [0], [0], [1], [0, 0, 1, 1], [], []>, transpose_lhs_hint = false} : vector<1024x128xf32>, vector<128x128xf32>, vector<1024x128xf32> -> vector<1024x128xf32>
    %swap3A = arith.constant 0 : index
    %swap3A_20 = arith.constant 0 : index
    %swap3A_21 = vector.load %arg4[%swap3A, %swap3A_20] : memref<1024x128xf32, #tpu.memory_space<vmem>>, vector<1024x128xf32>
    tpu.vector_store %arg4[%swap3A, %swap3A_20], %dot_general3A_19 {strides = array<i32>} : memref<1024x128xf32, #tpu.memory_space<vmem>>, vector<1024x128xf32>,
    return
  }
  func.func @transform_0(%arg0: i32) -> (i32, i32, i32) {
    %c0_i32 = arith.constant 0 : i32
    %c0_i32_0 = arith.constant 0 : i32
    %c0_i32_1 = arith.constant 0 : i32
    return %c0_i32, %arg0, %c0_i32_0 : i32, i32, i32
  }
  func.func @transform_1(%arg0: i32) -> (i32, i32) {
    %c0_i32 = arith.constant 0 : i32
    %c0_i32_0 = arith.constant 0 : i32
    %c0_i32_1 = arith.constant 0 : i32
    return %c0_i32, %c0_i32_0 : i32, i32
  }
  func.func @transform_2(%arg0: i32) -> (i32, i32) {
    %c0_i32 = arith.constant 0 : i32
    %c0_i32_0 = arith.constant 0 : i32
    %c0_i32_1 = arith.constant 0 : i32
    return %c0_i32, %c0_i32_0 : i32, i32
  }
  func.func @transform_3(%arg0: i32) -> (i32, i32) {
    %c0_i32 = arith.constant 0 : i32
    %c0_i32_0 = arith.constant 0 : i32
    return %arg0, %c0_i32 : i32, i32
  }
}

module attributes {stable_mosaic.version = 14 : i64} {
  func.func @_final_body(%arg0: i32, %arg1: memref<2x1024x128xf32, #tpu.memory_space<vmem>>, %arg2: memref<1x64xf32, #tpu.memory_space<vmem>>, %arg3: memref<1024x64xf32, #tpu.memory_space<vmem>>) attributes {dimension_semantics = [#tpu.dimension_semantics<arbitrary>], iteration_bounds = array<i64: 10>, scalar_prefetch = 0 : i64, scratch_operands = 0 : i64, tpu.core_type = #tpu.core_type<tc>, window_params = [{transform_indices = @transform_0, window_bounds = array<i64: 2, 1024, 128>}, {pipeline_mode = #tpu.pipeline_mode<synchronous>, transform_indices = @transform_1, window_bounds = array<i64: 1, 64>}, {transform_indices = @transform_2, window_bounds = array<i64: 1024, 64>}]} {
    %get3A = arith.constant 0 : index
    %get3A_0 = arith.constant 0 : index
    %get3A_1 = arith.constant 0 : index
    %get3A_2 = vector.load %arg1[%get3A, %get3A_0, %get3A_1] : memref<2x1024x128xf32, #tpu.memory_space<vmem>>, vector<1x1024x64xf32>
    %get3A_3 = vector.shape_cast %get3A_2 : vector<1x1024x64xf32> to vector<1024x64xf32>
    %get3A_4 = arith.constant 1 : index
    %get3A_5 = arith.constant 0 : index
    %get3A_6 = arith.constant 0 : index
    %get3A_7 = vector.load %arg1[%get3A_4, %get3A_5, %get3A_6] : memref<2x1024x128xf32, #tpu.memory_space<vmem>>, vector<1x1024x64xf32>
    %get3A_8 = vector.shape_cast %get3A_7 : vector<1x1024x64xf32> to vector<1024x64xf32>
    %add3A = arith.addf %get3A_3, %get3A_8 : vector<1024x64xf32>
    %get3A_9 = arith.constant 0 : index
    %get3A_10 = arith.constant 0 : index
    %get3A_11 = vector.load %arg2[%get3A_9, %get3A_10] : memref<1x64xf32, #tpu.memory_space<vmem>>, vector<1x64xf32>
    %add3A_12 = vector.broadcast %get3A_11 : vector<1x64xf32> to vector<1024x64xf32>
    %add3A_13 = arith.addf %add3A, %add3A_12 : vector<1024x64xf32>
    %reduce_max3A = arith.constant dense<0xFF800000> : vector<1024xf32>
    %reduce_max3A_14 = vector.multi_reduction <maximumf>, %add3A_13, %reduce_max3A [1] : vector<1024x64xf32> to vector<1024xf32>
    %broadcast_in_dim3A = vector.shape_cast %reduce_max3A_14 : vector<1024xf32> to vector<1024x1xf32>
    %sub3A = vector.broadcast %broadcast_in_dim3A : vector<1024x1xf32> to vector<1024x64xf32>
    %sub3A_15 = arith.subf %add3A_13, %sub3A : vector<1024x64xf32>
    %exp3A = math.exp %sub3A_15 : vector<1024x64xf32>
    %reduce_sum3A = arith.constant dense<0.000000e+00> : vector<1024xf32>
    %reduce_sum3A_16 = vector.multi_reduction <add>, %exp3A, %reduce_sum3A [1] : vector<1024x64xf32> to vector<1024xf32>
    %broadcast_in_dim3A_17 = vector.shape_cast %reduce_sum3A_16 : vector<1024xf32> to vector<1024x1xf32>
    %sub3A_18 = vector.broadcast %broadcast_in_dim3A : vector<1024x1xf32> to vector<1024x64xf32>
    %sub3A_19 = arith.subf %add3A_13, %sub3A_18 : vector<1024x64xf32>
    %log3A = math.log %broadcast_in_dim3A_17 : vector<1024x1xf32>
    %sub3A_20 = vector.broadcast %log3A : vector<1024x1xf32> to vector<1024x64xf32>
    %sub3A_21 = arith.subf %sub3A_19, %sub3A_20 : vector<1024x64xf32>
    %swap3A = arith.constant 0 : index
    %swap3A_22 = arith.constant 0 : index
    %swap3A_23 = vector.load %arg3[%swap3A, %swap3A_22] : memref<1024x64xf32, #tpu.memory_space<vmem>>, vector<1024x64xf32>
    tpu.vector_store %arg3[%swap3A, %swap3A_22], %sub3A_21 {strides = array<i32>} : memref<1024x64xf32, #tpu.memory_space<vmem>>, vector<1024x64xf32>,
    return
  }
  func.func @transform_0(%arg0: i32) -> (i32, i32, i32) {
    %c0_i32 = arith.constant 0 : i32
    %c0_i32_0 = arith.constant 0 : i32
    %c0_i32_1 = arith.constant 0 : i32
    return %c0_i32, %arg0, %c0_i32_0 : i32, i32, i32
  }
  func.func @transform_1(%arg0: i32) -> (i32, i32) {
    %c0_i32 = arith.constant 0 : i32
    %c0_i32_0 = arith.constant 0 : i32
    %c0_i32_1 = arith.constant 0 : i32
    return %c0_i32, %c0_i32_0 : i32, i32
  }
  func.func @transform_2(%arg0: i32) -> (i32, i32) {
    %c0_i32 = arith.constant 0 : i32
    %c0_i32_0 = arith.constant 0 : i32
    return %arg0, %c0_i32 : i32, i32
  }
}

</mosaic_0001>

<sc_bundles>
// kernel: kernel.10.cloned.1.call-start
scs
__scs_entry_jumppad:
0x0: {  	(pc) =	sbr.rel $0x88, $3  }
0x1: {  	(tag) =	ssettag $0x0;
	lr =	simm.s32 $0x1  }
0x2: {  	[smem:$0x3F9B] =	sst lr;
	_ =	strace $0xD0000000  }
0x3: {  	_ = 	snop  }
0x4: {  	_ = 	snop  }
0x5: {  	_ = 	snop  }
0x6: {  	_ = 	snop  }
0x7: {  	_ = 	snop  }
__scs_overlays_trampoline_lowered:
0x8: {  	[smem:$0x3FAA] =	sst s0  }
0x9: {  	[smem:$0x3FAB] =	sst s1  }
0xa: {  	[smem:$0x3FAC] =	sst s2  }
0xb: {  	[smem:$0x3FAD] =	sst s3  }
0xc: {  	[smem:$0x3FAE] =	sst s4  }
0xd: {  	[smem:$0x3FAF] =	sst s5  }
0xe: {  	[smem:$0x3FB0] =	sst s6  }
0xf: {  	[smem:$0x3FB1] =	sst s7  }
0x10: {  	[smem:$0x3FB2] =	sst s8  }
0x11: {  	[smem:$0x3FB3] =	sst s9;
	s0 =	simm.s32 @!p0 $0x0  }
0x12: {  	s1 =	sld [smem:$0x3F99];
	s0 =	simm.s32 @p0 $0x1  }
0x13: {  	[smem:$0x3FB4] =	sst s0;
	s0 =	simm.s32 @!p1 $0x0  }
0x14: {  	s2 =	sld [smem:$0x3F98];
	s0 =	simm.s32 @p1 $0x1  }
0x15: {  	[smem:$0x3FB5] =	sst s0;
	s0 =	simm.s32 @!p2 $0x0  }
0x16: {  	s3 =	sld [smem:$0x3FDB];
	s0 =	simm.s32 @p2 $0x1  }
0x17: {  	s4 =	simm.s32 $0x1BF5;
	[smem:$0x3FB7] =	sst s0  }
0x18: {  	s0 =	sld [smem:$0x3F9A];
	_ =	swait.ge [sflag:s4], $0x0  }
0x19: {  	s7 =	sld [smem:$0x3F9B]  }
0x1a: {  	s8 =	sadd.s32 $0xFFFFE003, lr  }
0x1b: {  	s9 =	sadd.s32 $0xFFFFFEF7, lr;
	s5 =	simm.s32 $0xFFFFFFFF;
	p2 =	slt.u32 s8, $0xFFFFF086  }
0x1c: {  	p1 =	slt.u32 s9, $0xF7A;
	s5 =	simm.s32 @!p2 $0x0  }
0x1d: {  	s5 =	simm.s32 @p1 $0x1;
	p0 =	seq.s32 s7, s2  }
0x1e: {  	s7 =	smul.u32 @!p0 $0xF7A, s2;
	p2 =	seq.s32 @!p0 s5, $0x0  }
0x1f: {  	s9 =	smul.u32 $0xF7A, s1;
	s8 =	simm.s32 @!p0 $0x1BF5;
	p2 =	por !p2, p0  }
0x20: {  	[sflag:s8] =	ssyncset.s32 @!p0 $0xFFFFF086;
	s6 =	sadd.s32 @!p0 s3, s7;
	s7 =	simm.s32 @!p0 $0x108  }
0x21: {  	s3 =	sadd.s32 s3, s9;
	s6 =	sadd.s32 @!p0 $0x88, s6;
	s7 =	simm.s32 @p2 $0x1082  }
0x22: {  	[simem:s7], [sflag:s8] =	dma.local @!p0 [hbm:s6], $0xF7A  }
0x23: {  	s9 =	sor.u32 $0xD0000000, s2;
	s6 =	simm.s32 $0x108;
	_ =	swait.ge @!p0 [sflag:s8], $0x0  }
0x24: {  	s3 =	sadd.s32 $0x88, s3;
	s6 =	simm.s32 @!p1 $0x1082;
	[sflag:s4] =	ssyncset.s32 $0xFFFFF086  }
0x25: {  	[simem:s6], [sflag:s4] =	dma.local [hbm:s3], $0xF7A  }
0x26: {  	[smem:$0x3F9B] =	sst s1;
	(tag) =	ssettag s2;
	_ =	strace s9  }
0x27: {  	s1 =	sld [smem:$0x3FAB]  }
0x28: {  	s2 =	sld [smem:$0x3FAC]  }
0x29: {  	s4 =	sld [smem:$0x3FAE]  }
0x2a: {  	p0 =	seq.s32 s5, $0x0;
	s5 =	sld [smem:$0x3FAF]  }
0x2b: {  	s6 =	sld [smem:$0x3FB0]  }
0x2c: {  	s7 =	sld [smem:$0x3FB1]  }
0x2d: {  	s3 =	simm.s32 $0x108;
	s8 =	sld [smem:$0x3FB2]  }
0x2e: {  	s3 =	simm.s32 @!p0 $0x1082;
	s9 =	sld [smem:$0x3FB3]  }
0x2f: {  	lr =	sadd.s32 s0, s3;
	s0 =	sld [smem:$0x3FAA]  }
0x30: {  	s3 =	sld [smem:$0x3FAD]  }
0x31: {  	[smem:$0x3FB6] =	sst s10  }
0x32: {  	s10 =	sld [smem:$0x3FB4];
	_ =	sdelay $0x3  }
0x33: {  	p0 =	seq.s32 s10, $0x1;
	s10 =	sld [smem:$0x3FB6];
	_ =	sdelay $0x3  }
0x34: {  	[smem:$0x3FB6] =	sst s10  }
0x35: {  	s10 =	sld [smem:$0x3FB5];
	_ =	sdelay $0x3  }
0x36: {  	p1 =	seq.s32 s10, $0x1;
	s10 =	sld [smem:$0x3FB6];
	_ =	sdelay $0x3  }
0x37: {  	[smem:$0x3FB6] =	sst s10  }
0x38: {  	s10 =	sld [smem:$0x3FB7]  }
0x39: {  	_ = 	snop;
	(pc) =	sbr.ind lr, $3  }
0x3a: {  	_ = 	snop  }
0x3b: {  	_ = 	snop  }
0x3c: {  	p2 =	seq.s32 s10, $0x1;
	s10 =	sld [smem:$0x3FB6]  }
0x3d: {  	_ =	shalt  }
0x3e: {  	_ =	shalt  }
0x3f: {  	_ =	shalt  }
0x40: {  	_ =	shalt  }
0x41: {  	_ =	shalt  }
0x42: {  	_ =	shalt  }
0x43: {  	_ =	shalt  }
0x44: {  	_ =	shalt  }
0x45: {  	_ =	shalt  }
0x46: {  	_ =	shalt  }
0x47: {  	_ =	shalt  }
0x48: {  	_ =	shalt  }
0x49: {  	_ =	shalt  }
0x4a: {  	_ =	shalt  }
0x4b: {  	_ =	shalt  }
0x4c: {  	_ =	shalt  }
0x4d: {  	_ =	shalt  }
0x4e: {  	_ =	shalt  }
0x4f: {  	_ =	shalt  }
0x50: {  	_ =	shalt  }
0x51: {  	_ =	shalt  }
0x52: {  	_ =	shalt  }
0x53: {  	_ =	shalt  }
0x54: {  	_ =	shalt  }
0x55: {  	_ =	shalt  }
0x56: {  	_ =	shalt  }
0x57: {  	_ =	shalt  }
0x58: {  	_ =	shalt  }
0x59: {  	_ =	shalt  }
0x5a: {  	_ =	shalt  }
0x5b: {  	_ =	shalt  }
0x5c: {  	_ =	shalt  }
0x5d: {  	_ =	shalt  }
0x5e: {  	_ =	shalt  }
0x5f: {  	_ =	shalt  }
0x60: {  	_ =	shalt  }
0x61: {  	_ =	shalt  }
0x62: {  	_ =	shalt  }
0x63: {  	_ =	shalt  }
0x64: {  	_ =	shalt  }
0x65: {  	_ =	shalt  }
0x66: {  	_ =	shalt  }
0x67: {  	_ =	shalt  }
0x68: {  	_ =	shalt  }
0x69: {  	_ =	shalt  }
0x6a: {  	_ =	shalt  }
0x6b: {  	_ =	shalt  }
0x6c: {  	_ =	shalt  }
0x6d: {  	_ =	shalt  }
0x6e: {  	_ =	shalt  }
0x6f: {  	_ =	shalt  }
0x70: {  	_ =	shalt  }
0x71: {  	_ =	shalt  }
0x72: {  	_ =	shalt  }
0x73: {  	_ =	shalt  }
0x74: {  	_ =	shalt  }
0x75: {  	_ =	shalt  }
0x76: {  	_ =	shalt  }
0x77: {  	_ =	shalt  }
0x78: {  	_ =	shalt  }
0x79: {  	_ =	shalt  }
0x7a: {  	_ =	shalt  }
0x7b: {  	_ =	shalt  }
0x7c: {  	_ =	shalt  }
0x7d: {  	_ =	shalt  }
0x7e: {  	_ =	shalt  }
0x7f: {  	_ =	shalt  }
0x80: {  	_ =	shalt  }
0x81: {  	_ =	shalt  }
0x82: {  	_ =	shalt  }
0x83: {  	_ =	shalt  }
0x84: {  	_ =	shalt  }
0x85: {  	_ =	shalt  }
0x86: {  	_ =	shalt  }
0x87: {  	_ =	shalt  }
.Lfunc_end0:
.L_simem_size_0:
called_computation.1_lowered:
.L_overlay_start_0:
0x88: {  	s2 =	sld [smem:$0x3FD9]  }
0x89: {  	s3 =	sld [smem:$0x3FFE];
	_ =	sdelay $0x1  }
0x8a: {  	s1 =	srdreg.scid  }
0x8b: {  	s0 =	sand.u32 $0x1, s1  }
0x8c: {  	s17 =	sshll.u32 s0, $0xA;
	s2 =	sadd.s32 s3, s2  }
0x8d: {  	s2 =	sadd.s32 s2, s17  }
0x8e: {  	[smem:$0x3FC2] =	sst s2  }
0x8f: {  	_ = 	snop  }
0x90: {  	s2 =	sld [smem:$0x3FD0];
	(tm) =	ssettm $0x1  }
0x91: {  	s18 =	sld [smem:$0x3FFB];
	_ =	sdelay $0x3  }
0x92: {  	_ =	strace s18  }
0x93: {  	s3 =	sld [smem:$0x3FFC];
	_ =	sdelay $0x3  }
0x94: {  	_ =	strace s3  }
0x95: {  	s3 =	sld [smem:$0x3FFD];
	_ =	sdelay $0x3  }
0x96: {  	_ =	strace s3  }
0x97: {  	_ =	strace $0x8FFFFFFF  }
0x98: {  	s19 =	sld [smem:$0x3FDB];
	_ =	sdelay $0x1  }
0x99: {  	s4 =	simm.s32 $_scs_section_size  }
0x9a: {  	s5 =	simm.s32 $_size__tile_overlayer_lowered;
	s6 =	simm.s32 $_tile_overlayer_lowered  }
0x9b: {  	s22 =	simm.s32 $0x1BFF;
	s21 =	sshll.u32 s6, $0x1;
	s3 =	sadd.s32 s4, s19  }
0x9c: {  	s7 =	simm.s32 $0x0;
	s20 =	sshll.u32 s5, $0x1;
	s5 =	sadd.s32 s21, s3  }
0x9d: {  	[timem:s7], [sflag:s22] =	dma.local [hbm:s5], s20  }
0x9e: {  	_ =	swait.ge [sflag:s22], s20  }
0x9f: {  	s4 =	ssub.s32 $0x0, s20;
	[sflag:s22] =	ssyncset.done $0x0  }
0xa0: {  	[sflag:s22] =	ssyncadd.s32 s4;
	_ =	sdelay $0x1  }
0xa1: {  	s23 =	simm.s32 $0x1B8B  }
0xa2: {  	_ =	swait.ge [sflag:s23], $0x1  }
0xa3: {  	[sflag:s23] =	ssyncset.done $0x0  }
0xa4: {  	s25 =	simm.s32 $0x1B8E;
	s24 =	sld [smem:$0x3FFE];
	[sflag:s23] =	ssyncadd.s32 $0xFFFFFFFF  }
0xa5: {  	s26 =	simm.s32 $execute0_lowered;
	[smem:$0x3FD2] =	sst s25  }
0xa6: {  	s5 =	sshll.u32 s26, $0x1;
	_ =	strace $0x80000049;
	[dreg:$0x1] =	wrdreg $0xFFFFFFFF  }
0xa7: {  	s28 =	simm.s32 $_size_execute0_lowered;
	s3 =	sadd.s32 s3, s5;
	[dreg:$0x0] =	wrdreg $0x0  }
0xa8: {  	s5 =	sshll.u32 s28, $0x1;
	[dreg:$0x2] =	wrdreg s3  }
0xa9: {  	[dreg:$0x3] =	wrdreg s5  }
0xaa: {  	[dreg:$0x4] =	wrdreg $0xC0  }
0xab: {  	_ =	task [dreg:s7], $0x5FFFF  }
0xac: {  	[dreg:$0x1] =	wrdreg $0xFFFFFFFF  }
0xad: {  	[dreg:$0x0] =	wrdreg $0x60  }
0xae: {  	[dreg:$0x2] =	wrdreg s24  }
0xaf: {  	[dreg:$0x3] =	wrdreg s2  }
0xb0: {  	[dreg:$0x4] =	wrdreg $0x41000  }
0xb1: {  	[dreg:$0x5] =	wrdreg $0x9  }
0xb2: {  	_ =	task.clear_ibuf [dreg:s7], $0x6FFFF;
	_ =	strace $0x90000049  }
0xb3: {  	s29 =	simm.s32 $0x9;
	_ =	strace $0x8000004B  }
0xb4: {  	_ =	swait.ge [sflag:s29], $0x1  }
0xb5: {  	[sflag:s29] =	ssyncadd.s32 $0xFFFFFFFF  }
0xb6: {  	_ =	strace $0x9000004B  }
0xb7: {  	_ =	sfence  }
0xb8: {  	s30 =	sld [smem:$0x0];
	_ =	sdelay $0x2  }
0xb9: {  	s31 =	sshll.u32 s1, $0xD;
	s1 =	sshrl.u32 s1, $0x2  }
0xba: {  	s3 =	sand.u32 $0x4000, s31;
	s1 =	sadd.s32 s1, s30  }
0xbb: {  	s0 =	sor.u32 s3, s0;
	s1 =	sshll.u32 s1, $0x11  }
0xbc: {  	s0 =	sor.u32 s1, s0  }
0xbd: {  	s0 =	sadd.s32 $0x8F2B, s0  }
0xbe: {  	[sflag:s0] =	ssyncadd.remote.s32 $0x1  }
0xbf: {  	_ =	sfence.sel $0xFFFF  }
0xc0: {  	[dreg:$0x0] =	wrdreg $0xFFFFFFFF;
	(pc) =	sbr.abs _section_cstart, $3  }
0xc1: {  	[dreg:$0x1] =	wrdreg $0xFFFFFFFF  }
0xc2: {  	_ =	task.clear_ibuf [dreg:s7], $0x2FFFF;
	_ =	strace $0x9FFFFFFF  }
0xc3: {  	(tm) =	ssettm $0x7FFFFFFF  }
tec
execute0_lowered:
.L_overlay_start_1:
0x0: {  	(tag) =	ssettag $0x1  }
0x1: {  	s5 =	rddreg [dreg:$0x0]  }
0x2: {  	s8 =	rddreg [dreg:$0x1]  }
0x3: {  	s2 =	rddreg [dreg:$0x2]  }
0x4: {  	s0 =	rddreg [dreg:$0x3]  }
0x5: {  	s1 =	stileid.u32;
	s4 =	srdreg.scid  }
0x6: {  	s3 =	simm.s32 $0x0;
	s16 =	simm.s32 $0x0;
	s9 =	smul.u32 $0x9E0, s1  }
0x7: {  	s6 =	smul.u32 $0x14000, s1;
	s7 =	sand.u32 $0x1, s4;
	[smem:$0x7FF] =	sst s3  }
0x8: {  	s4 =	sadd.s32 $0x5A200, s5;
	s14 =	smul.u32 $0x50000, s1;
	s29 =	sshll.u32 s1, $0x6  }
0x9: {  	s10 =	smul.u32 $0x140000, s7;
	_ =	strace $0x8000004A;
	s26 =	ssub.s32 $0x2, s7  }
0xa: {  	s30 =	smul.u32 $0x4F0, s7;
	s11 =	sadd.s32 s9, s5;
	s12 =	sshrl.u32 s6, $0x3  }
0xb: {  	s13 =	sshrl.u32 s26, $0x1;
	s28 =	sshrl.u32 s14, $0x2;
	s31 =	sadd.s32 s9, s8  }
0xc: {  	s6 =	sadd.s32 s6, s10;
	s12 =	sadd.s32 s12, s5;
	s10 =	ssub.s32 s26, s13  }
0xd: {  	s14 =	sadd.s32 s28, s2;
	s11 =	sadd.s32 s30, s11;
	s13 =	simm.s32 $0x80  }
0xe: {  	s6 =	sshrl.u32 s6, $0x3;
	s8 =	smax.u32 s10, $0x1;
	s9 =	sadd.s32 $0x1200, s11  }
0xf: {  	s10 =	sadd.s32 s30, s31;
	s11 =	sshrl.u32 s14, $0x3;
	s14 =	simm.s32 $0x100  }
0x10: {  	s15 =	sadd.s32 s6, s5;
	s5 =	sadd.s32 $0x32200, s12;
	s6 =	sor.u32 $0x1C02, s29  }
0x11: {  	s12 =	simm.s32 $0x2;
	s7 =	sadd.s32 $0x82200, s15;
	s15 =	simm.s32 $0x1  }
.LBB2_1:
0x12: {  	[spmem:s11], [sflag:s6] =	dma.local [hbm:s5], $0x2800  }
0x13: {  	_ =	swait.ge [sflag:s12], $0x2800  }
0x14: {  	[sflag:s12] =	ssyncset.done $0x0  }
0x15: {  	[sflag:s12] =	ssyncadd.s32 $0xFFFFD800  }
0x16: {  	s17 =	sadd.s32 $0x0, s10;
	[bflag:$0x0] =	sbarrier.arrive $0xFFFF  }
0x17: {  	[tilespmem:s3], [sflag:$0x2] =	stream.linear.gather [hbm4b:s17+s3], $0x80, $0x38;
	[tilespmem:$0x18100] =	vst v63  }
0x18: {  	_ =	swait.ge [sflag:s12], $0x80  }
0x19: {  	[sflag:s12] =	ssyncset.done $0x0  }
0x1a: {  	s31 =	sadd.s32 $0x0, s9;
	[sflag:s12] =	ssyncadd.s32 $0xFFFFFF80  }
0x1b: {  	[tilespmem:s13], [sflag:$0x2] =	stream.linear.gather [hbm4b:s31+s3], $0x80, $0x38;
	[tilespmem:$0x18100] =	vst v63  }
0x1c: {  	_ =	swait.ge [sflag:s12], $0x80  }
0x1d: {  	[sflag:s12] =	ssyncset.done $0x0  }
0x1e: {  	[sflag:s12] =	ssyncadd.s32 $0xFFFFFF80  }
0x1f: {  	[tilespmem:s14], [sflag:$0x1] =	stream.indirect.gather [hbm4b:s4+s13], $0x80, s3, s13, $0xb8;
	[tilespmem:$0x18100] =	vst v63  }
0x20: {  	_ =	swait.ge [sflag:s15], $0x4000  }
0x21: {  	[sflag:s15] =	ssyncset.done $0x0  }
0x22: {  	[sflag:s15] =	ssyncadd.s32 $0xFFFFC000  }
0x23: {  	[spmem:s2] =	stream.indirect.scatter.add.f32 [tilespmem:s14], [sflag:$0x2], $0x80, s13, s13, $0xb8;
	[tilespmem:$0x18100] =	vst v63  }
0x24: {  	_ =	swait.ge [sflag:s12], $0x4000  }
0x25: {  	s18 =	simm.s32 $0x20;
	s17 =	simm.s32 $0x10;
	[sflag:s12] =	ssyncset.done $0x0  }
.LBB2_2:
0x26: {  	s19 =	sadd.s32 s17, s10  }
0x27: {  	[sflag:s12] =	ssyncadd.s32 $0xFFFFC000;
	s20 =	smov.u32 s18;
	s21 =	sadd.s32 $0x10, s18  }
0x28: {  	[tilespmem:s3], [sflag:$0x2] =	stream.linear.gather [hbm4b:s19+s3], $0x80, $0x38;
	[tilespmem:$0x18100] =	vst v63  }
0x29: {  	p0 =	sne.s32 s18, $0x4E0;
	_ =	swait.ge [sflag:s12], $0x80  }
0x2a: {  	[sflag:s12] =	ssyncset.done $0x0  }
0x2b: {  	s18 =	sadd.s32 s17, s9;
	s17 =	smov.u32 s20;
	[sflag:s12] =	ssyncadd.s32 $0xFFFFFF80  }
0x2c: {  	[tilespmem:s13], [sflag:$0x2] =	stream.linear.gather [hbm4b:s18+s3], $0x80, $0x38;
	[tilespmem:$0x18100] =	vst v63  }
0x2d: {  	_ =	swait.ge [sflag:s12], $0x80  }
0x2e: {  	[sflag:s12] =	ssyncset.done $0x0  }
0x2f: {  	[sflag:s12] =	ssyncadd.s32 $0xFFFFFF80  }
0x30: {  	[tilespmem:s14], [sflag:$0x1] =	stream.indirect.gather [hbm4b:s4+s13], $0x80, s3, s13, $0xb8;
	[tilespmem:$0x18100] =	vst v63  }
0x31: {  	_ =	swait.ge [sflag:s15], $0x4000  }
.Ltmp0:
0x32: {  	[sflag:s15] =	ssyncset.done $0x0;
	(pc) =	sbr.rel @p0 .LBB2_2-.Ltmp0, $4  }
0x33: {  	[sflag:s15] =	ssyncadd.s32 $0xFFFFC000  }
0x34: {  	[spmem:s2] =	stream.indirect.scatter.add.f32 [tilespmem:s14], [sflag:$0x2], $0x80, s13, s13, $0xb8;
	[tilespmem:$0x18100] =	vst v63  }
0x35: {  	_ =	swait.ge [sflag:s12], $0x4000  }
0x36: {  	s18 =	smov.u32 s21;
	[sflag:s12] =	ssyncset.done $0x0  }
0x37: {  	s18 =	sadd.s32 s17, s10;
	[sflag:s12] =	ssyncadd.s32 $0xFFFFC000  }
0x38: {  	[tilespmem:s3], [sflag:$0x2] =	stream.linear.gather [hbm4b:s18+s3], $0x80, $0x38;
	[tilespmem:$0x18100] =	vst v63  }
0x39: {  	_ =	swait.ge [sflag:s12], $0x80  }
0x3a: {  	[sflag:s12] =	ssyncset.done $0x0  }
0x3b: {  	s31 =	sadd.s32 s17, s9;
	[sflag:s12] =	ssyncadd.s32 $0xFFFFFF80  }
0x3c: {  	[tilespmem:s13], [sflag:$0x2] =	stream.linear.gather [hbm4b:s31+s3], $0x80, $0x38;
	[tilespmem:$0x18100] =	vst v63  }
0x3d: {  	_ =	swait.ge [sflag:s12], $0x80  }
0x3e: {  	[sflag:s12] =	ssyncset.done $0x0  }
0x3f: {  	[sflag:s12] =	ssyncadd.s32 $0xFFFFFF80  }
0x40: {  	[tilespmem:s14], [sflag:$0x1] =	stream.indirect.gather [hbm4b:s4+s13], $0x80, s3, s13, $0xb8;
	[tilespmem:$0x18100] =	vst v63  }
0x41: {  	_ =	swait.ge [sflag:s15], $0x4000  }
0x42: {  	[sflag:s15] =	ssyncset.done $0x0  }
0x43: {  	[sflag:s15] =	ssyncadd.s32 $0xFFFFC000  }
0x44: {  	[spmem:s2] =	stream.indirect.scatter.add.f32 [tilespmem:s14], [sflag:$0x2], $0x80, s13, s13, $0xb8;
	[tilespmem:$0x18100] =	vst v63  }
0x45: {  	_ =	swait.ge [sflag:s12], $0x4000  }
0x46: {  	s16 =	sadd.s32 $0x1, s16;
	[sflag:s12] =	ssyncset.done $0x0  }
0x47: {  	p0 =	sne.s32 s16, s8;
	[sflag:s12] =	ssyncadd.s32 $0xFFFFC000  }
.Ltmp1:
0x48: {  	[bflag:$0x0] =	sbarrier.arrive $0xFFFF;
	(pc) =	sbr.rel @p0 .LBB2_1-.Ltmp1, $4  }
0x49: {  	[hbm:s7], [sflag:s6] =	dma.local [spmem:s11], $0x2800  }
0x4a: {  	_ =	swait.ge [sflag:s12], $0x2800  }
0x4b: {  	[sflag:s12] =	ssyncset.done $0x0  }
0x4c: {  	[sflag:s12] =	ssyncadd.s32 $0xFFFFD800  }
0x4d: {  	_ =	sfence.sel $0x180000  }
0x4e: {  	[bflag:$0x0] =	sbarrier.arrive $0xFFFF  }
0x4f: {  	p0 =	sne.s32 s1, $0x0;
	_ =	strace $0x9000004A  }
0x50: {  	s0 =	sadd.s32 @!p0 $0x100000, s0;
	[bflag:$0x2] =	sbarrier.arrive $0xFFFF  }
0x51: {  	[sflag:s0] =	ssyncadd.tile.s32 @!p0 $0x1;
	_ =	shalt  }
.Lfunc_end2:
_tile_overlayer_lowered:
.L_overlay_start_2:
0x52: {  	(tag) =	ssettag $0x2  }
0x53: {  	s0 =	rddreg [dreg:$0x0];
	s2 =	stileid.u32  }
0x54: {  	s1 =	rddreg [dreg:$0x1];
	p0 =	sne.s32 s2, $0x0  }
0x55: {  	s3 =	rddreg [dreg:$0x2];
	[bflag:$0x3] =	sbarrier.arrive $0xFFFF;
	s2 =	simm.s32 @!p0 $0x1C02  }
0x56: {  	[timem:s3], [sflag:s2] =	dma.local @!p0 [hbm:s0], s1  }
0x57: {  	s0 =	simm.s32 @!p0 $0x2  }
0x58: {  	_ =	swait.ge @!p0 [sflag:s0], s1  }
0x59: {  	s1 =	ssub.s32 @!p0 $0x0, s1;
	[sflag:s0] =	ssyncset.done @!p0 $0x0  }
0x5a: {  	[sflag:s0] =	ssyncadd.s32 @!p0 s1  }
0x5b: {  	[bflag:$0x3] =	sbarrier.arrive $0xFFFF  }
0x5c: {  	_ =	shalt  }

// kernel: kernel.7.cloned.1.call-start
scs
__scs_entry_jumppad:
0x0: {  	(pc) =	sbr.rel $0x88, $3  }
0x1: {  	(tag) =	ssettag $0x0;
	lr =	simm.s32 $0x1  }
0x2: {  	[smem:$0x3F9B] =	sst lr;
	_ =	strace $0xD0000000  }
0x3: {  	_ = 	snop  }
0x4: {  	_ = 	snop  }
0x5: {  	_ = 	snop  }
0x6: {  	_ = 	snop  }
0x7: {  	_ = 	snop  }
__scs_overlays_trampoline_lowered:
0x8: {  	[smem:$0x3FAA] =	sst s0  }
0x9: {  	[smem:$0x3FAB] =	sst s1  }
0xa: {  	[smem:$0x3FAC] =	sst s2  }
0xb: {  	[smem:$0x3FAD] =	sst s3  }
0xc: {  	[smem:$0x3FAE] =	sst s4  }
0xd: {  	[smem:$0x3FAF] =	sst s5  }
0xe: {  	[smem:$0x3FB0] =	sst s6  }
0xf: {  	[smem:$0x3FB1] =	sst s7  }
0x10: {  	[smem:$0x3FB2] =	sst s8  }
0x11: {  	[smem:$0x3FB3] =	sst s9;
	s0 =	simm.s32 @!p0 $0x0  }
0x12: {  	s1 =	sld [smem:$0x3F99];
	s0 =	simm.s32 @p0 $0x1  }
0x13: {  	[smem:$0x3FB4] =	sst s0;
	s0 =	simm.s32 @!p1 $0x0  }
0x14: {  	s2 =	sld [smem:$0x3F98];
	s0 =	simm.s32 @p1 $0x1  }
0x15: {  	[smem:$0x3FB5] =	sst s0;
	s0 =	simm.s32 @!p2 $0x0  }
0x16: {  	s3 =	sld [smem:$0x3FDB];
	s0 =	simm.s32 @p2 $0x1  }
0x17: {  	s4 =	simm.s32 $0x1BF5;
	[smem:$0x3FB7] =	sst s0  }
0x18: {  	s0 =	sld [smem:$0x3F9A];
	_ =	swait.ge [sflag:s4], $0x0  }
0x19: {  	s7 =	sld [smem:$0x3F9B]  }
0x1a: {  	s8 =	sadd.s32 $0xFFFFE003, lr  }
0x1b: {  	s9 =	sadd.s32 $0xFFFFFEF7, lr;
	s5 =	simm.s32 $0xFFFFFFFF;
	p2 =	slt.u32 s8, $0xFFFFF086  }
0x1c: {  	p1 =	slt.u32 s9, $0xF7A;
	s5 =	simm.s32 @!p2 $0x0  }
0x1d: {  	s5 =	simm.s32 @p1 $0x1;
	p0 =	seq.s32 s7, s2  }
0x1e: {  	s7 =	smul.u32 @!p0 $0xF7A, s2;
	p2 =	seq.s32 @!p0 s5, $0x0  }
0x1f: {  	s9 =	smul.u32 $0xF7A, s1;
	s8 =	simm.s32 @!p0 $0x1BF5;
	p2 =	por !p2, p0  }
0x20: {  	[sflag:s8] =	ssyncset.s32 @!p0 $0xFFFFF086;
	s6 =	sadd.s32 @!p0 s3, s7;
	s7 =	simm.s32 @!p0 $0x108  }
0x21: {  	s3 =	sadd.s32 s3, s9;
	s6 =	sadd.s32 @!p0 $0x88, s6;
	s7 =	simm.s32 @p2 $0x1082  }
0x22: {  	[simem:s7], [sflag:s8] =	dma.local @!p0 [hbm:s6], $0xF7A  }
0x23: {  	s9 =	sor.u32 $0xD0000000, s2;
	s6 =	simm.s32 $0x108;
	_ =	swait.ge @!p0 [sflag:s8], $0x0  }
0x24: {  	s3 =	sadd.s32 $0x88, s3;
	s6 =	simm.s32 @!p1 $0x1082;
	[sflag:s4] =	ssyncset.s32 $0xFFFFF086  }
0x25: {  	[simem:s6], [sflag:s4] =	dma.local [hbm:s3], $0xF7A  }
0x26: {  	[smem:$0x3F9B] =	sst s1;
	(tag) =	ssettag s2;
	_ =	strace s9  }
0x27: {  	s1 =	sld [smem:$0x3FAB]  }
0x28: {  	s2 =	sld [smem:$0x3FAC]  }
0x29: {  	s4 =	sld [smem:$0x3FAE]  }
0x2a: {  	p0 =	seq.s32 s5, $0x0;
	s5 =	sld [smem:$0x3FAF]  }
0x2b: {  	s6 =	sld [smem:$0x3FB0]  }
0x2c: {  	s7 =	sld [smem:$0x3FB1]  }
0x2d: {  	s3 =	simm.s32 $0x108;
	s8 =	sld [smem:$0x3FB2]  }
0x2e: {  	s3 =	simm.s32 @!p0 $0x1082;
	s9 =	sld [smem:$0x3FB3]  }
0x2f: {  	lr =	sadd.s32 s0, s3;
	s0 =	sld [smem:$0x3FAA]  }
0x30: {  	s3 =	sld [smem:$0x3FAD]  }
0x31: {  	[smem:$0x3FB6] =	sst s10  }
0x32: {  	s10 =	sld [smem:$0x3FB4];
	_ =	sdelay $0x3  }
0x33: {  	p0 =	seq.s32 s10, $0x1;
	s10 =	sld [smem:$0x3FB6];
	_ =	sdelay $0x3  }
0x34: {  	[smem:$0x3FB6] =	sst s10  }
0x35: {  	s10 =	sld [smem:$0x3FB5];
	_ =	sdelay $0x3  }
0x36: {  	p1 =	seq.s32 s10, $0x1;
	s10 =	sld [smem:$0x3FB6];
	_ =	sdelay $0x3  }
0x37: {  	[smem:$0x3FB6] =	sst s10  }
0x38: {  	s10 =	sld [smem:$0x3FB7]  }
0x39: {  	_ = 	snop;
	(pc) =	sbr.ind lr, $3  }
0x3a: {  	_ = 	snop  }
0x3b: {  	_ = 	snop  }
0x3c: {  	p2 =	seq.s32 s10, $0x1;
	s10 =	sld [smem:$0x3FB6]  }
0x3d: {  	_ =	shalt  }
0x3e: {  	_ =	shalt  }
0x3f: {  	_ =	shalt  }
0x40: {  	_ =	shalt  }
0x41: {  	_ =	shalt  }
0x42: {  	_ =	shalt  }
0x43: {  	_ =	shalt  }
0x44: {  	_ =	shalt  }
0x45: {  	_ =	shalt  }
0x46: {  	_ =	shalt  }
0x47: {  	_ =	shalt  }
0x48: {  	_ =	shalt  }
0x49: {  	_ =	shalt  }
0x4a: {  	_ =	shalt  }
0x4b: {  	_ =	shalt  }
0x4c: {  	_ =	shalt  }
0x4d: {  	_ =	shalt  }
0x4e: {  	_ =	shalt  }
0x4f: {  	_ =	shalt  }
0x50: {  	_ =	shalt  }
0x51: {  	_ =	shalt  }
0x52: {  	_ =	shalt  }
0x53: {  	_ =	shalt  }
0x54: {  	_ =	shalt  }
0x55: {  	_ =	shalt  }
0x56: {  	_ =	shalt  }
0x57: {  	_ =	shalt  }
0x58: {  	_ =	shalt  }
0x59: {  	_ =	shalt  }
0x5a: {  	_ =	shalt  }
0x5b: {  	_ =	shalt  }
0x5c: {  	_ =	shalt  }
0x5d: {  	_ =	shalt  }
0x5e: {  	_ =	shalt  }
0x5f: {  	_ =	shalt  }
0x60: {  	_ =	shalt  }
0x61: {  	_ =	shalt  }
0x62: {  	_ =	shalt  }
0x63: {  	_ =	shalt  }
0x64: {  	_ =	shalt  }
0x65: {  	_ =	shalt  }
0x66: {  	_ =	shalt  }
0x67: {  	_ =	shalt  }
0x68: {  	_ =	shalt  }
0x69: {  	_ =	shalt  }
0x6a: {  	_ =	shalt  }
0x6b: {  	_ =	shalt  }
0x6c: {  	_ =	shalt  }
0x6d: {  	_ =	shalt  }
0x6e: {  	_ =	shalt  }
0x6f: {  	_ =	shalt  }
0x70: {  	_ =	shalt  }
0x71: {  	_ =	shalt  }
0x72: {  	_ =	shalt  }
0x73: {  	_ =	shalt  }
0x74: {  	_ =	shalt  }
0x75: {  	_ =	shalt  }
0x76: {  	_ =	shalt  }
0x77: {  	_ =	shalt  }
0x78: {  	_ =	shalt  }
0x79: {  	_ =	shalt  }
0x7a: {  	_ =	shalt  }
0x7b: {  	_ =	shalt  }
0x7c: {  	_ =	shalt  }
0x7d: {  	_ =	shalt  }
0x7e: {  	_ =	shalt  }
0x7f: {  	_ =	shalt  }
0x80: {  	_ =	shalt  }
0x81: {  	_ =	shalt  }
0x82: {  	_ =	shalt  }
0x83: {  	_ =	shalt  }
0x84: {  	_ =	shalt  }
0x85: {  	_ =	shalt  }
0x86: {  	_ =	shalt  }
0x87: {  	_ =	shalt  }
.Lfunc_end0:
.L_simem_size_0:
called_computation_lowered:
.L_overlay_start_0:
0x88: {  	s2 =	sld [smem:$0x3FD9]  }
0x89: {  	s3 =	sld [smem:$0x3FFE];
	_ =	sdelay $0x1  }
0x8a: {  	s1 =	srdreg.scid  }
0x8b: {  	s0 =	sand.u32 $0x1, s1  }
0x8c: {  	s17 =	sshll.u32 s0, $0xA;
	s2 =	sadd.s32 s3, s2  }
0x8d: {  	s2 =	sadd.s32 s2, s17  }
0x8e: {  	[smem:$0x3FC2] =	sst s2  }
0x8f: {  	_ = 	snop  }
0x90: {  	s2 =	sld [smem:$0x3FD0];
	(tm) =	ssettm $0x1  }
0x91: {  	s18 =	sld [smem:$0x3FFB];
	_ =	sdelay $0x3  }
0x92: {  	_ =	strace s18  }
0x93: {  	s3 =	sld [smem:$0x3FFC];
	_ =	sdelay $0x3  }
0x94: {  	_ =	strace s3  }
0x95: {  	s3 =	sld [smem:$0x3FFD];
	_ =	sdelay $0x3  }
0x96: {  	_ =	strace s3  }
0x97: {  	_ =	strace $0x8FFFFFFF  }
0x98: {  	s19 =	sld [smem:$0x3FDB];
	_ =	sdelay $0x1  }
0x99: {  	s4 =	simm.s32 $_scs_section_size  }
0x9a: {  	s5 =	simm.s32 $_size__tile_overlayer_lowered;
	s6 =	simm.s32 $_tile_overlayer_lowered  }
0x9b: {  	s22 =	simm.s32 $0x1BFF;
	s21 =	sshll.u32 s6, $0x1;
	s3 =	sadd.s32 s4, s19  }
0x9c: {  	s7 =	simm.s32 $0x0;
	s20 =	sshll.u32 s5, $0x1;
	s5 =	sadd.s32 s21, s3  }
0x9d: {  	[timem:s7], [sflag:s22] =	dma.local [hbm:s5], s20  }
0x9e: {  	_ =	swait.ge [sflag:s22], s20  }
0x9f: {  	s4 =	ssub.s32 $0x0, s20;
	[sflag:s22] =	ssyncset.done $0x0  }
0xa0: {  	[sflag:s22] =	ssyncadd.s32 s4;
	_ =	sdelay $0x1  }
0xa1: {  	s23 =	simm.s32 $0x1B8B  }
0xa2: {  	_ =	swait.ge [sflag:s23], $0x1  }
0xa3: {  	[sflag:s23] =	ssyncset.done $0x0  }
0xa4: {  	s25 =	simm.s32 $0x1B8E;
	s24 =	sld [smem:$0x3FFE];
	[sflag:s23] =	ssyncadd.s32 $0xFFFFFFFF  }
0xa5: {  	s26 =	simm.s32 $execute0_lowered;
	[smem:$0x3FD2] =	sst s25  }
0xa6: {  	s5 =	sshll.u32 s26, $0x1;
	_ =	strace $0x80000046;
	[dreg:$0x1] =	wrdreg $0xFFFFFFFF  }
0xa7: {  	s28 =	simm.s32 $_size_execute0_lowered;
	s3 =	sadd.s32 s3, s5;
	[dreg:$0x0] =	wrdreg $0x0  }
0xa8: {  	s5 =	sshll.u32 s28, $0x1;
	[dreg:$0x2] =	wrdreg s3  }
0xa9: {  	[dreg:$0x3] =	wrdreg s5  }
0xaa: {  	[dreg:$0x4] =	wrdreg $0xC0  }
0xab: {  	_ =	task [dreg:s7], $0x5FFFF  }
0xac: {  	[dreg:$0x1] =	wrdreg $0xFFFFFFFF  }
0xad: {  	[dreg:$0x0] =	wrdreg $0x60  }
0xae: {  	[dreg:$0x2] =	wrdreg s24  }
0xaf: {  	[dreg:$0x3] =	wrdreg s2  }
0xb0: {  	[dreg:$0x4] =	wrdreg $0x41000  }
0xb1: {  	[dreg:$0x5] =	wrdreg $0x9  }
0xb2: {  	_ =	task.clear_ibuf [dreg:s7], $0x6FFFF;
	_ =	strace $0x90000046  }
0xb3: {  	s29 =	simm.s32 $0x9;
	_ =	strace $0x80000048  }
0xb4: {  	_ =	swait.ge [sflag:s29], $0x1  }
0xb5: {  	[sflag:s29] =	ssyncadd.s32 $0xFFFFFFFF  }
0xb6: {  	_ =	strace $0x90000048  }
0xb7: {  	_ =	sfence  }
0xb8: {  	s30 =	sld [smem:$0x0];
	_ =	sdelay $0x2  }
0xb9: {  	s31 =	sshll.u32 s1, $0xD;
	s1 =	sshrl.u32 s1, $0x2  }
0xba: {  	s3 =	sand.u32 $0x4000, s31;
	s1 =	sadd.s32 s1, s30  }
0xbb: {  	s0 =	sor.u32 s3, s0;
	s1 =	sshll.u32 s1, $0x11  }
0xbc: {  	s0 =	sor.u32 s1, s0  }
0xbd: {  	s0 =	sadd.s32 $0x8F2B, s0  }
0xbe: {  	[sflag:s0] =	ssyncadd.remote.s32 $0x1  }
0xbf: {  	_ =	sfence.sel $0xFFFF  }
0xc0: {  	[dreg:$0x0] =	wrdreg $0xFFFFFFFF;
	(pc) =	sbr.abs _section_cstart, $3  }
0xc1: {  	[dreg:$0x1] =	wrdreg $0xFFFFFFFF  }
0xc2: {  	_ =	task.clear_ibuf [dreg:s7], $0x2FFFF;
	_ =	strace $0x9FFFFFFF  }
0xc3: {  	(tm) =	ssettm $0x7FFFFFFF  }
tec
execute0_lowered:
.L_overlay_start_1:
0x0: {  	(tag) =	ssettag $0x1  }
0x1: {  	s5 =	rddreg [dreg:$0x0]  }
0x2: {  	s8 =	rddreg [dreg:$0x1]  }
0x3: {  	s2 =	rddreg [dreg:$0x2]  }
0x4: {  	s0 =	rddreg [dreg:$0x3]  }
0x5: {  	s1 =	stileid.u32;
	s4 =	srdreg.scid  }
0x6: {  	s3 =	simm.s32 $0x0;
	s16 =	simm.s32 $0x0;
	s9 =	smul.u32 $0x9E0, s1  }
0x7: {  	s6 =	smul.u32 $0x14000, s1;
	s7 =	sand.u32 $0x1, s4;
	[smem:$0x7FF] =	sst s3  }
0x8: {  	s4 =	sadd.s32 $0xB000, s5;
	s14 =	smul.u32 $0x50000, s1;
	s29 =	sshll.u32 s1, $0x6  }
0x9: {  	s10 =	smul.u32 $0x140000, s7;
	_ =	strace $0x80000047;
	s26 =	ssub.s32 $0x2, s7  }
0xa: {  	s30 =	smul.u32 $0x4F0, s7;
	s11 =	sadd.s32 s9, s5;
	s12 =	sshrl.u32 s6, $0x3  }
0xb: {  	s13 =	sshrl.u32 s26, $0x1;
	s28 =	sshrl.u32 s14, $0x2;
	s31 =	sadd.s32 s9, s8  }
0xc: {  	s6 =	sadd.s32 s6, s10;
	s12 =	sadd.s32 s12, s5;
	s10 =	ssub.s32 s26, s13  }
0xd: {  	s14 =	sadd.s32 s28, s2;
	s11 =	sadd.s32 s30, s11;
	s13 =	simm.s32 $0x80  }
0xe: {  	s6 =	sshrl.u32 s6, $0x3;
	s8 =	smax.u32 s10, $0x1;
	s9 =	sadd.s32 $0x1200, s11  }
0xf: {  	s10 =	sadd.s32 s30, s31;
	s11 =	sshrl.u32 s14, $0x3;
	s14 =	simm.s32 $0x100  }
0x10: {  	s15 =	sadd.s32 s6, s5;
	s5 =	sadd.s32 $0x32200, s12;
	s6 =	sor.u32 $0x1C02, s29  }
0x11: {  	s12 =	simm.s32 $0x2;
	s7 =	sadd.s32 $0x5A200, s15;
	s15 =	simm.s32 $0x1  }
.LBB2_1:
0x12: {  	[spmem:s11], [sflag:s6] =	dma.local [hbm:s5], $0x2800  }
0x13: {  	_ =	swait.ge [sflag:s12], $0x2800  }
0x14: {  	[sflag:s12] =	ssyncset.done $0x0  }
0x15: {  	[sflag:s12] =	ssyncadd.s32 $0xFFFFD800  }
0x16: {  	s17 =	sadd.s32 $0x0, s10;
	[bflag:$0x0] =	sbarrier.arrive $0xFFFF  }
0x17: {  	[tilespmem:s3], [sflag:$0x2] =	stream.linear.gather [hbm4b:s17+s3], $0x80, $0x38;
	[tilespmem:$0x18100] =	vst v63  }
0x18: {  	_ =	swait.ge [sflag:s12], $0x80  }
0x19: {  	[sflag:s12] =	ssyncset.done $0x0  }
0x1a: {  	s31 =	sadd.s32 $0x0, s9;
	[sflag:s12] =	ssyncadd.s32 $0xFFFFFF80  }
0x1b: {  	[tilespmem:s13], [sflag:$0x2] =	stream.linear.gather [hbm4b:s31+s3], $0x80, $0x38;
	[tilespmem:$0x18100] =	vst v63  }
0x1c: {  	_ =	swait.ge [sflag:s12], $0x80  }
0x1d: {  	[sflag:s12] =	ssyncset.done $0x0  }
0x1e: {  	[sflag:s12] =	ssyncadd.s32 $0xFFFFFF80  }
0x1f: {  	[tilespmem:s14], [sflag:$0x1] =	stream.indirect.gather [hbm4b:s4+s13], $0x80, s3, s13, $0xb8;
	[tilespmem:$0x18100] =	vst v63  }
0x20: {  	_ =	swait.ge [sflag:s15], $0x4000  }
0x21: {  	[sflag:s15] =	ssyncset.done $0x0  }
0x22: {  	[sflag:s15] =	ssyncadd.s32 $0xFFFFC000  }
0x23: {  	[spmem:s2] =	stream.indirect.scatter.add.f32 [tilespmem:s14], [sflag:$0x2], $0x80, s13, s13, $0xb8;
	[tilespmem:$0x18100] =	vst v63  }
0x24: {  	_ =	swait.ge [sflag:s12], $0x4000  }
0x25: {  	s18 =	simm.s32 $0x20;
	s17 =	simm.s32 $0x10;
	[sflag:s12] =	ssyncset.done $0x0  }
.LBB2_2:
0x26: {  	s19 =	sadd.s32 s17, s10  }
0x27: {  	[sflag:s12] =	ssyncadd.s32 $0xFFFFC000;
	s20 =	smov.u32 s18;
	s21 =	sadd.s32 $0x10, s18  }
0x28: {  	[tilespmem:s3], [sflag:$0x2] =	stream.linear.gather [hbm4b:s19+s3], $0x80, $0x38;
	[tilespmem:$0x18100] =	vst v63  }
0x29: {  	p0 =	sne.s32 s18, $0x4E0;
	_ =	swait.ge [sflag:s12], $0x80  }
0x2a: {  	[sflag:s12] =	ssyncset.done $0x0  }
0x2b: {  	s18 =	sadd.s32 s17, s9;
	s17 =	smov.u32 s20;
	[sflag:s12] =	ssyncadd.s32 $0xFFFFFF80  }
0x2c: {  	[tilespmem:s13], [sflag:$0x2] =	stream.linear.gather [hbm4b:s18+s3], $0x80, $0x38;
	[tilespmem:$0x18100] =	vst v63  }
0x2d: {  	_ =	swait.ge [sflag:s12], $0x80  }
0x2e: {  	[sflag:s12] =	ssyncset.done $0x0  }
0x2f: {  	[sflag:s12] =	ssyncadd.s32 $0xFFFFFF80  }
0x30: {  	[tilespmem:s14], [sflag:$0x1] =	stream.indirect.gather [hbm4b:s4+s13], $0x80, s3, s13, $0xb8;
	[tilespmem:$0x18100] =	vst v63  }
0x31: {  	_ =	swait.ge [sflag:s15], $0x4000  }
.Ltmp0:
0x32: {  	[sflag:s15] =	ssyncset.done $0x0;
	(pc) =	sbr.rel @p0 .LBB2_2-.Ltmp0, $4  }
0x33: {  	[sflag:s15] =	ssyncadd.s32 $0xFFFFC000  }
0x34: {  	[spmem:s2] =	stream.indirect.scatter.add.f32 [tilespmem:s14], [sflag:$0x2], $0x80, s13, s13, $0xb8;
	[tilespmem:$0x18100] =	vst v63  }
0x35: {  	_ =	swait.ge [sflag:s12], $0x4000  }
0x36: {  	s18 =	smov.u32 s21;
	[sflag:s12] =	ssyncset.done $0x0  }
0x37: {  	s18 =	sadd.s32 s17, s10;
	[sflag:s12] =	ssyncadd.s32 $0xFFFFC000  }
0x38: {  	[tilespmem:s3], [sflag:$0x2] =	stream.linear.gather [hbm4b:s18+s3], $0x80, $0x38;
	[tilespmem:$0x18100] =	vst v63  }
0x39: {  	_ =	swait.ge [sflag:s12], $0x80  }
0x3a: {  	[sflag:s12] =	ssyncset.done $0x0  }
0x3b: {  	s31 =	sadd.s32 s17, s9;
	[sflag:s12] =	ssyncadd.s32 $0xFFFFFF80  }
0x3c: {  	[tilespmem:s13], [sflag:$0x2] =	stream.linear.gather [hbm4b:s31+s3], $0x80, $0x38;
	[tilespmem:$0x18100] =	vst v63  }
0x3d: {  	_ =	swait.ge [sflag:s12], $0x80  }
0x3e: {  	[sflag:s12] =	ssyncset.done $0x0  }
0x3f: {  	[sflag:s12] =	ssyncadd.s32 $0xFFFFFF80  }
0x40: {  	[tilespmem:s14], [sflag:$0x1] =	stream.indirect.gather [hbm4b:s4+s13], $0x80, s3, s13, $0xb8;
	[tilespmem:$0x18100] =	vst v63  }
0x41: {  	_ =	swait.ge [sflag:s15], $0x4000  }
0x42: {  	[sflag:s15] =	ssyncset.done $0x0  }
0x43: {  	[sflag:s15] =	ssyncadd.s32 $0xFFFFC000  }
0x44: {  	[spmem:s2] =	stream.indirect.scatter.add.f32 [tilespmem:s14], [sflag:$0x2], $0x80, s13, s13, $0xb8;
	[tilespmem:$0x18100] =	vst v63  }
0x45: {  	_ =	swait.ge [sflag:s12], $0x4000  }
0x46: {  	s16 =	sadd.s32 $0x1, s16;
	[sflag:s12] =	ssyncset.done $0x0  }
0x47: {  	p0 =	sne.s32 s16, s8;
	[sflag:s12] =	ssyncadd.s32 $0xFFFFC000  }
.Ltmp1:
0x48: {  	[bflag:$0x0] =	sbarrier.arrive $0xFFFF;
	(pc) =	sbr.rel @p0 .LBB2_1-.Ltmp1, $4  }
0x49: {  	[hbm:s7], [sflag:s6] =	dma.local [spmem:s11], $0x2800  }
0x4a: {  	_ =	swait.ge [sflag:s12], $0x2800  }
0x4b: {  	[sflag:s12] =	ssyncset.done $0x0  }
0x4c: {  	[sflag:s12] =	ssyncadd.s32 $0xFFFFD800  }
0x4d: {  	_ =	sfence.sel $0x180000  }
0x4e: {  	[bflag:$0x0] =	sbarrier.arrive $0xFFFF  }
0x4f: {  	p0 =	sne.s32 s1, $0x0;
	_ =	strace $0x90000047  }
0x50: {  	s0 =	sadd.s32 @!p0 $0x100000, s0;
	[bflag:$0x2] =	sbarrier.arrive $0xFFFF  }
0x51: {  	[sflag:s0] =	ssyncadd.tile.s32 @!p0 $0x1;
	_ =	shalt  }
.Lfunc_end2:
_tile_overlayer_lowered:
.L_overlay_start_2:
0x52: {  	(tag) =	ssettag $0x2  }
0x53: {  	s0 =	rddreg [dreg:$0x0];
	s2 =	stileid.u32  }
0x54: {  	s1 =	rddreg [dreg:$0x1];
	p0 =	sne.s32 s2, $0x0  }
0x55: {  	s3 =	rddreg [dreg:$0x2];
	[bflag:$0x3] =	sbarrier.arrive $0xFFFF;
	s2 =	simm.s32 @!p0 $0x1C02  }
0x56: {  	[timem:s3], [sflag:s2] =	dma.local @!p0 [hbm:s0], s1  }
0x57: {  	s0 =	simm.s32 @!p0 $0x2  }
0x58: {  	_ =	swait.ge @!p0 [sflag:s0], s1  }
0x59: {  	s1 =	ssub.s32 @!p0 $0x0, s1;
	[sflag:s0] =	ssyncset.done @!p0 $0x0  }
0x5a: {  	[sflag:s0] =	ssyncadd.s32 @!p0 s1  }
0x5b: {  	[bflag:$0x3] =	sbarrier.arrive $0xFFFF  }
0x5c: {  	_ =	shalt  }

</sc_bundles>
